<compile_context>
chip_gen: v7x
topology: tpu7x:2x2x1
jax: 0.10.2.dev20260603
libtpu: 0.0.44.dev20260713+nightly
codegen_flags: <defaults>
</compile_context>

<pallas_src>
import functools

import jax
import jax.numpy as jnp
from jax import lax
from jax.experimental import pallas as pl
from jax.experimental.pallas import tpu as pltpu
from jax.experimental.pallas import tpu_sc as plsc

N = 10000
E = 320000
F = 128
H = 256
C = 10
G = 128

NC = 2
NS = 16
CH = 128
EPW = 20480
NSUB = EPW // CH
E_PAD = NS * EPW
N_ACC = 10240
RPT = N_ACC // NS
DW = 16
FH = F // NC

NBUF = 4
DEPTH = 2

R = 400
NB = N // R


def _sc_aggregate(xsp, es, ed):
    mesh = plsc.VectorSubcoreMesh(core_axis_name="c", subcore_axis_name="s")

    @functools.partial(
        pl.kernel,
        out_type=(
            jax.ShapeDtypeStruct((NC, N_ACC, FH), jnp.float32),
            jax.ShapeDtypeStruct((NC, N_ACC, DW), jnp.float32),
        ),
        mesh=mesh,
        scratch_types=[
            pltpu.VMEM((NSUB, CH), jnp.int32),
            pltpu.VMEM((NSUB, CH), jnp.int32),
            pltpu.VMEM((NBUF, CH, FH), jnp.float32),
            pltpu.VMEM((CH, DW), jnp.float32),
            pltpu.VMEM_SHARED((N_ACC, FH), jnp.float32),
            pltpu.VMEM_SHARED((N_ACC, DW), jnp.float32),
            [pltpu.SemaphoreType.DMA] * NBUF,
            [pltpu.SemaphoreType.DMA] * NBUF,
        ],
        compiler_params=pltpu.CompilerParams(use_tc_tiling_on_sc=False),
    )
    def k(x_hbm, es_hbm, ed_hbm, acc_out, deg_out, srcv, dstv, rows, ones,
          acc_sh, deg_sh, semg, sems):
        cid = lax.axis_index("c")
        sid = lax.axis_index("s")

        zero16 = jnp.zeros((16,), jnp.float32)
        one16 = jnp.ones((16,), jnp.float32)

        def zrow(i, _):
            for j in range(FH // 16):
                rows[0, i, pl.ds(j * 16, 16)] = zero16
            ones[i, pl.ds(0, DW)] = zero16
            return 0

        lax.fori_loop(0, CH, zrow, 0)

        for t in range(RPT // CH):
            r0 = sid * RPT + t * CH
            pltpu.sync_copy(rows.at[0], acc_sh.at[pl.ds(r0, CH)])
            pltpu.sync_copy(ones, deg_sh.at[pl.ds(r0, CH)])

        def orow(i, _):
            ones[i, pl.ds(0, DW)] = one16
            return 0

        lax.fori_loop(0, CH, orow, 0)

        pltpu.sync_copy(es_hbm.at[cid, sid], srcv)
        pltpu.sync_copy(ed_hbm.at[sid], dstv)

        plsc.subcore_barrier()

        def gather_start(j, b):
            pltpu.async_copy(x_hbm.at[srcv.at[j]], rows.at[b], semg[b])

        def gather_wait(j, b):
            pltpu.make_async_copy(x_hbm.at[srcv.at[j]], rows.at[b], semg[b]).wait()

        def scatter_start(j, b):
            pltpu.async_copy(rows.at[b], acc_sh.at[dstv.at[j]], sems[b], add=True)
            pltpu.async_copy(ones, deg_sh.at[dstv.at[j]], sems[b], add=True)

        def scatter_wait(j, b):
            pltpu.make_async_copy(rows.at[b], acc_sh.at[dstv.at[j]], sems[b]).wait()
            pltpu.make_async_copy(ones, deg_sh.at[dstv.at[j]], sems[b]).wait()

        for b0 in range(DEPTH):
            gather_start(b0, b0)

        def round_(jj, _):
            for b in range(NBUF):
                j = jj * NBUF + b
                gather_wait(j, b)
                scatter_start(j, b)

                @pl.when(j >= DEPTH)
                def _():
                    scatter_wait(j - DEPTH, (b - DEPTH) % NBUF)

                @pl.when(j + DEPTH < NSUB)
                def _():
                    gather_start(j + DEPTH, (b + DEPTH) % NBUF)
            return 0

        lax.fori_loop(0, NSUB // NBUF, round_, 0)
        for b0 in range(DEPTH):
            scatter_wait(NSUB - DEPTH + b0, (NSUB - DEPTH + b0) % NBUF)

        plsc.subcore_barrier()

        for t in range(RPT // CH):
            r0 = sid * RPT + t * CH
            pltpu.sync_copy(acc_sh.at[pl.ds(r0, CH)], acc_out.at[cid, pl.ds(r0, CH)])
            pltpu.sync_copy(deg_sh.at[pl.ds(r0, CH)], deg_out.at[cid, pl.ds(r0, CH)])

    return k(xsp, es, ed)


def _tc_body(acc_ref, deg_ref, x_ref, ids_ref, idsc_ref, wl_ref, bl_ref, wr_ref,
             w2_ref, b2_ref, out_ref, pooled):
    i = pl.program_id(0)
    a = jnp.concatenate([acc_ref[0], acc_ref[1]], axis=1)
    d = deg_ref[0, :, 0:1]
    agg = a / jnp.maximum(d, 1.0)
    h = jnp.dot(agg, wl_ref[...], preferred_element_type=jnp.float32)
    h += jnp.dot(x_ref[...], wr_ref[...], preferred_element_type=jnp.float32)
    h = jnp.maximum(h + bl_ref[...], 0.0)

    ids = ids_ref[0]
    idsc = idsc_ref[...]
    hh = h
    k = 1
    while k < R:
        same_col = (pltpu.roll(idsc, R - k, axis=0) == idsc)[:, 0:1]
        hh_s = pltpu.roll(hh, R - k, axis=0)
        hh = jnp.where(same_col, jnp.maximum(hh, hh_s), hh)
        k *= 2

    col = lax.broadcasted_iota(jnp.int32, (1, R), 1)
    prev = pltpu.roll(ids, 1, axis=1)
    is_start = (ids != prev) | (col == 0)
    gid = lax.broadcasted_iota(jnp.int32, (G, R), 0)
    eqg = ids == gid
    onehot = (eqg & is_start).astype(jnp.float32)
    contrib = jnp.dot(onehot, hh, preferred_element_type=jnp.float32)
    present = jnp.max(eqg.astype(jnp.float32), axis=1, keepdims=True)
    update = jnp.where(present > 0.0, contrib, -jnp.inf)

    @pl.when(i == 0)
    def _():
        pooled[...] = update

    @pl.when(i > 0)
    def _():
        pooled[...] = jnp.maximum(pooled[...], update)

    @pl.when(i == NB - 1)
    def _():
        out_ref[...] = (
            jnp.dot(pooled[...], w2_ref[...], preferred_element_type=jnp.float32)
            + b2_ref[...]
        )


def _tc_head(acc, deg, x_pad, ids3, idsc, wl, bl2, wr, w2p, b2p):
    return pl.pallas_call(
        _tc_body,
        grid=(NB,),
        in_specs=[
            pl.BlockSpec((NC, R, FH), lambda i: (0, i, 0)),
            pl.BlockSpec((NC, R, DW), lambda i: (0, i, 0)),
            pl.BlockSpec((R, F), lambda i: (i, 0)),
            pl.BlockSpec((1, 1, R), lambda i: (i, 0, 0)),
            pl.BlockSpec((R, 8), lambda i: (i, 0)),
            pl.BlockSpec((F, H), lambda i: (0, 0)),
            pl.BlockSpec((1, H), lambda i: (0, 0)),
            pl.BlockSpec((F, H), lambda i: (0, 0)),
            pl.BlockSpec((H, 128), lambda i: (0, 0)),
            pl.BlockSpec((1, 128), lambda i: (0, 0)),
        ],
        out_specs=pl.BlockSpec((G, 128), lambda i: (0, 0)),
        out_shape=jax.ShapeDtypeStruct((G, 128), jnp.float32),
        scratch_shapes=[pltpu.VMEM((G, H), jnp.float32)],
    )(acc, deg, x_pad, ids3, idsc, wl, bl2, wr, w2p, b2p)


@jax.jit
def kernel(x, edge_index, batch, Wl, bl, Wr, W2, b2):
    pad_e = E_PAD - E
    src_p = jnp.concatenate([edge_index[0], jnp.zeros((pad_e,), jnp.int32)])
    dst_p = jnp.concatenate([edge_index[1], jnp.full((pad_e,), N, jnp.int32)])
    es = jnp.stack([src_p, src_p + N]).reshape(NC, NS, NSUB, CH)
    ed = dst_p.reshape(NS, NSUB, CH)
    xsp = jnp.concatenate([x[:, :FH], x[:, FH:]], axis=0)

    acc, deg = _sc_aggregate(xsp, es, ed)

    ids3 = batch.reshape(NB, 1, R)
    idsc = jnp.broadcast_to(batch[:, None], (N, 8))
    bl2 = bl.reshape(1, H)
    w2p = jnp.zeros((H, 128), jnp.float32).at[:, :C].set(W2)
    b2p = jnp.zeros((1, 128), jnp.float32).at[0, :C].set(b2)

    out = _tc_head(acc, deg, x, ids3, idsc, Wl, bl2, Wr, w2p, b2p)
    return out[:, :C]

# --- scband reference (transcript-rebuilt; emitter-appended) ---
"""Pipeline reference for scband-generic-model-57080115364433 (READ-ONLY COPY).

The authoritative reference and input builder live on the scoring server;
editing this copy changes nothing except your own understanding.
"""

import jax, jax.numpy as jnp
import numpy as np

N = 10000
E = 320000
F = 128
H = 256
C = 10
G = 128


def setup_inputs(seed: int = 0) -> dict:
    key = jax.random.key(seed)
    ks = jax.random.split(key, 8)
    x = jax.random.normal(ks[0], (N, F), dtype=jnp.float32)
    edge_index = jax.random.randint(ks[1], (2, E), 0, N, dtype=jnp.int32)
    batch = jnp.sort(jax.random.randint(ks[2], (N,), 0, G, dtype=jnp.int32))
    # SAGEConv params: lin_l (applied to aggregated neighbors, with bias), lin_r (root, no bias)
    Wl = jax.random.normal(ks[3], (F, H), dtype=jnp.float32) * 0.05
    bl = jnp.zeros((H,), dtype=jnp.float32)
    Wr = jax.random.normal(ks[4], (F, H), dtype=jnp.float32) * 0.05
    # lin2: hidden -> num_classes
    W2 = jax.random.normal(ks[5], (H, C), dtype=jnp.float32) * 0.05
    b2 = jnp.zeros((C,), dtype=jnp.float32)
    return {"x": x, "edge_index": edge_index, "batch": batch,
            "Wl": Wl, "bl": bl, "Wr": Wr, "W2": W2, "b2": b2}


def reference(x, edge_index, batch, Wl, bl, Wr, W2, b2):
    src = edge_index[0]
    dst = edge_index[1]
    # SAGEConv with mean aggregation: gather messages from src, mean-reduce into dst
    msg = jnp.take(x, src, axis=0)
    agg = jax.ops.segment_sum(msg, dst, num_segments=N)
    deg = jax.ops.segment_sum(jnp.ones((E,), dtype=x.dtype), dst, num_segments=N)
    agg = agg / jnp.maximum(deg, 1.0)[:, None]
    h = agg @ Wl + bl + x @ Wr
    # ReLU
    h = jax.nn.relu(h)
    # global_max_pool over graph-assignment vector `batch`
    pooled = jax.ops.segment_max(h, batch, num_segments=G)
    # final classifier (squeeze(1) is a no-op since num_classes != 1)
    out = pooled @ W2 + b2
    return out

if __name__ == "__main__":
    import jax
    _d = setup_inputs()
    print(jax.jit(kernel)(*tuple(_d.values())))

</pallas_src>

<mosaic_0001>
#map = affine_map<(d0, d1) -> (0, 0)>
#map1 = affine_map<(d0, d1) -> (0, 0, 0, 0)>
#map2 = affine_map<(d0, d1) -> (0, 0, 0)>
module attributes {stable_mosaic.version = 14 : i64} {
  func.func @k(%arg0: i32, %arg1: i32, %arg2: memref<20000x64xf32, #tpu.memory_space<hbm>>, %arg3: memref<2x16x160x128xi32, #tpu.memory_space<hbm>>, %arg4: memref<16x160x128xi32, #tpu.memory_space<hbm>>, %arg5: memref<2x10240x64xf32, #tpu.memory_space<hbm>>, %arg6: memref<2x10240x16xf32, #tpu.memory_space<hbm>>, %arg7: memref<160x128xi32, #tpu.memory_space<vmem>>, %arg8: memref<160x128xi32, #tpu.memory_space<vmem>>, %arg9: memref<4x128x64xf32, #tpu.memory_space<vmem>>, %arg10: memref<128x16xf32, #tpu.memory_space<vmem>>, %arg11: memref<10240x64xf32, #tpu.memory_space<vmem_shared>>, %arg12: memref<10240x16xf32, #tpu.memory_space<vmem_shared>>, %arg13: memref<!tpu.dma_semaphore, #tpu.memory_space<semaphore_mem>>, %arg14: memref<!tpu.dma_semaphore, #tpu.memory_space<semaphore_mem>>, %arg15: memref<!tpu.dma_semaphore, #tpu.memory_space<semaphore_mem>>, %arg16: memref<!tpu.dma_semaphore, #tpu.memory_space<semaphore_mem>>, %arg17: memref<!tpu.dma_semaphore, #tpu.memory_space<semaphore_mem>>, %arg18: memref<!tpu.dma_semaphore, #tpu.memory_space<semaphore_mem>>, %arg19: memref<!tpu.dma_semaphore, #tpu.memory_space<semaphore_mem>>, %arg20: memref<!tpu.dma_semaphore, #tpu.memory_space<semaphore_mem>>) attributes {dimension_semantics = [#tpu.dimension_semantics<core_parallel>, #tpu.dimension_semantics<subcore_parallel>], iteration_bounds = array<i64: 2, 16>, scalar_prefetch = 0 : i64, scratch_operands = 14 : i64, tpu.core_type = #tpu.core_type<sc_vector_subcore>, window_params = [{transform_indices = #map}, {transform_indices = #map1}, {transform_indices = #map2}, {transform_indices = #map2}, {transform_indices = #map2}]} {
    %broadcast_in_dim3A = arith.constant 0.000000e+00 : f32
    %broadcast_in_dim3A_0 = vector.broadcast %broadcast_in_dim3A : f32 to vector<16xf32>
    %broadcast_in_dim3A_1 = arith.constant 1.000000e+00 : f32
    %broadcast_in_dim3A_2 = vector.broadcast %broadcast_in_dim3A_1 : f32 to vector<16xf32>
    %scan3A = arith.constant 0 : i32
    %scan3A_3 = arith.constant 0 : i32
    %scan3A_4 = arith.constant 128 : i32
    %scan3A_5 = arith.addi %scan3A_3, %scan3A_4 : i32
    %scan3A_6 = arith.constant 1 : i32
    %scan3A_7 = scf.for %scan3A_126 = %scan3A_3 to %scan3A_5 step %scan3A_6 iter_args(%scan3A_127 = %scan3A) -> (i32)  : i32 {
      %swap3A = arith.constant 0 : i32
      %swap3A_128 = arith.index_cast %swap3A : i32 to index
      %swap3A_129 = arith.index_cast %scan3A_126 : i32 to index
      %swap3A_130 = arith.constant 0 : index
      %swap3A_131 = tpu.vector_load %arg9[%swap3A_128, %swap3A_129, %swap3A_130] {strides = array<i32>} : memref<4x128x64xf32, #tpu.memory_space<vmem>>, vector<1x1x16xf32>,
      %swap3A_132 = vector.shape_cast %swap3A_131 : vector<1x1x16xf32> to vector<16xf32>
      %swap3A_133 = vector.shape_cast %broadcast_in_dim3A_0 : vector<16xf32> to vector<1x1x16xf32>
      tpu.vector_store %arg9[%swap3A_128, %swap3A_129, %swap3A_130], %swap3A_133 {strides = array<i32>} : memref<4x128x64xf32, #tpu.memory_space<vmem>>, vector<1x1x16xf32>,
      %swap3A_134 = arith.constant 0 : i32
      %swap3A_135 = arith.index_cast %swap3A_134 : i32 to index
      %swap3A_136 = arith.index_cast %scan3A_126 : i32 to index
      %swap3A_137 = arith.constant 16 : index
      %swap3A_138 = tpu.vector_load %arg9[%swap3A_135, %swap3A_136, %swap3A_137] {strides = array<i32>} : memref<4x128x64xf32, #tpu.memory_space<vmem>>, vector<1x1x16xf32>,
      %swap3A_139 = vector.shape_cast %swap3A_138 : vector<1x1x16xf32> to vector<16xf32>
      %swap3A_140 = vector.shape_cast %broadcast_in_dim3A_0 : vector<16xf32> to vector<1x1x16xf32>
      tpu.vector_store %arg9[%swap3A_135, %swap3A_136, %swap3A_137], %swap3A_140 {strides = array<i32>} : memref<4x128x64xf32, #tpu.memory_space<vmem>>, vector<1x1x16xf32>,
      %swap3A_141 = arith.constant 0 : i32
      %swap3A_142 = arith.index_cast %swap3A_141 : i32 to index
      %swap3A_143 = arith.index_cast %scan3A_126 : i32 to index
      %swap3A_144 = arith.constant 32 : index
      %swap3A_145 = tpu.vector_load %arg9[%swap3A_142, %swap3A_143, %swap3A_144] {strides = array<i32>} : memref<4x128x64xf32, #tpu.memory_space<vmem>>, vector<1x1x16xf32>,
      %swap3A_146 = vector.shape_cast %swap3A_145 : vector<1x1x16xf32> to vector<16xf32>
      %swap3A_147 = vector.shape_cast %broadcast_in_dim3A_0 : vector<16xf32> to vector<1x1x16xf32>
      tpu.vector_store %arg9[%swap3A_142, %swap3A_143, %swap3A_144], %swap3A_147 {strides = array<i32>} : memref<4x128x64xf32, #tpu.memory_space<vmem>>, vector<1x1x16xf32>,
      %swap3A_148 = arith.constant 0 : i32
      %swap3A_149 = arith.index_cast %swap3A_148 : i32 to index
      %swap3A_150 = arith.index_cast %scan3A_126 : i32 to index
      %swap3A_151 = arith.constant 48 : index
      %swap3A_152 = tpu.vector_load %arg9[%swap3A_149, %swap3A_150, %swap3A_151] {strides = array<i32>} : memref<4x128x64xf32, #tpu.memory_space<vmem>>, vector<1x1x16xf32>,
      %swap3A_153 = vector.shape_cast %swap3A_152 : vector<1x1x16xf32> to vector<16xf32>
      %swap3A_154 = vector.shape_cast %broadcast_in_dim3A_0 : vector<16xf32> to vector<1x1x16xf32>
      tpu.vector_store %arg9[%swap3A_149, %swap3A_150, %swap3A_151], %swap3A_154 {strides = array<i32>} : memref<4x128x64xf32, #tpu.memory_space<vmem>>, vector<1x1x16xf32>,
      %swap3A_155 = arith.index_cast %scan3A_126 : i32 to index
      %swap3A_156 = arith.constant 0 : index
      %swap3A_157 = tpu.vector_load %arg10[%swap3A_155, %swap3A_156] {strides = array<i32>} : memref<128x16xf32, #tpu.memory_space<vmem>>, vector<1x16xf32>,
      %swap3A_158 = vector.shape_cast %swap3A_157 : vector<1x16xf32> to vector<16xf32>
      %swap3A_159 = vector.shape_cast %broadcast_in_dim3A_0 : vector<16xf32> to vector<1x16xf32>
      tpu.vector_store %arg10[%swap3A_155, %swap3A_156], %swap3A_159 {strides = array<i32>} : memref<128x16xf32, #tpu.memory_space<vmem>>, vector<1x16xf32>,
      %scan3A_160 = arith.constant 0 : i32
      scf.yield %scan3A_160 : i32
    }
    %scan3A_8 = arith.constant 128 : i32
    %mul3A = arith.constant 640 : i32
    %mul3A_9 = arith.muli %arg1, %mul3A : i32
    %add3A = arith.constant 0 : i32
    %add3A_10 = arith.addi %mul3A_9, %add3A : i32
    %run_scoped3A = arith.constant 0 : i32
    "tpu.region"() ({
      %run_scoped3A_126 = tpu.sem_alloc : memref<!tpu.dma_semaphore, #tpu.memory_space<semaphore_mem>>
      %dma_start3A_127 = arith.constant 0 : i32
      %dma_start3A_128 = arith.constant 0 : i32
      %dma_start3A_129 = tpu.memref_slice %arg9[%run_scoped3A, %dma_start3A_127, %dma_start3A_128] : memref<4x128x64xf32, #tpu.memory_space<vmem>> -> memref<1x128x64xf32, #tpu.memory_space<vmem>>
      %dma_start3A_130 = tpu.memref_squeeze %dma_start3A_129 : memref<1x128x64xf32, #tpu.memory_space<vmem>> -> memref<128x64xf32, #tpu.memory_space<vmem>>
      %dma_start3A_131 = arith.constant 0 : i32
      %dma_start3A_132 = tpu.memref_slice %arg11[%add3A_10, %dma_start3A_131] : memref<10240x64xf32, #tpu.memory_space<vmem_shared>> -> memref<128x64xf32, #tpu.memory_space<vmem_shared>>
      %dma_start3A_133 = arith.constant 0 : i32
      %dma_start3A_134 = tpu.memref_slice %arg11[%add3A_10, %dma_start3A_133] : memref<10240x64xf32, #tpu.memory_space<vmem_shared>> -> memref<128x64xf32, #tpu.memory_space<vmem_shared>>
      %dma_start3A_135 = arith.constant 0 : i32
      %dma_start3A_136 = arith.constant 0 : i32
      %dma_start3A_137 = tpu.memref_slice %arg9[%run_scoped3A, %dma_start3A_135, %dma_start3A_136] : memref<4x128x64xf32, #tpu.memory_space<vmem>> -> memref<1x128x64xf32, #tpu.memory_space<vmem>>
      %dma_start3A_138 = tpu.memref_squeeze %dma_start3A_137 : memref<1x128x64xf32, #tpu.memory_space<vmem>> -> memref<128x64xf32, #tpu.memory_space<vmem>>
      tpu.enqueue_dma source(%dma_start3A_138 : memref<128x64xf32, #tpu.memory_space<vmem>>) target(%dma_start3A_134 : memref<128x64xf32, #tpu.memory_space<vmem_shared>>) target_semaphore(%run_scoped3A_126 : memref<!tpu.dma_semaphore, #tpu.memory_space<semaphore_mem>>)
      %dma_wait3A_139 = arith.constant 0 : i32
      %dma_wait3A_140 = arith.constant 0 : i32
      %dma_wait3A_141 = tpu.memref_slice %arg9[%run_scoped3A, %dma_wait3A_139, %dma_wait3A_140] : memref<4x128x64xf32, #tpu.memory_space<vmem>> -> memref<1x128x64xf32, #tpu.memory_space<vmem>>
      %dma_wait3A_142 = tpu.memref_squeeze %dma_wait3A_141 : memref<1x128x64xf32, #tpu.memory_space<vmem>> -> memref<128x64xf32, #tpu.memory_space<vmem>>
      %dma_wait3A_143 = arith.constant 0 : i32
      %dma_wait3A_144 = tpu.memref_slice %arg11[%add3A_10, %dma_wait3A_143] : memref<10240x64xf32, #tpu.memory_space<vmem_shared>> -> memref<128x64xf32, #tpu.memory_space<vmem_shared>>
      %dma_wait3A_145 = arith.constant 0 : i32
      %dma_wait3A_146 = tpu.memref_slice %arg11[%add3A_10, %dma_wait3A_145] : memref<10240x64xf32, #tpu.memory_space<vmem_shared>> -> memref<128x64xf32, #tpu.memory_space<vmem_shared>>
      %dma_wait3A_147 = arith.constant 0 : i32
      %dma_wait3A_148 = arith.constant 0 : i32
      %dma_wait3A_149 = tpu.memref_slice %arg9[%run_scoped3A, %dma_wait3A_147, %dma_wait3A_148] : memref<4x128x64xf32, #tpu.memory_space<vmem>> -> memref<1x128x64xf32, #tpu.memory_space<vmem>>
      %dma_wait3A_150 = tpu.memref_squeeze %dma_wait3A_149 : memref<1x128x64xf32, #tpu.memory_space<vmem>> -> memref<128x64xf32, #tpu.memory_space<vmem>>
      tpu.wait_dma2 semaphore(%run_scoped3A_126 : memref<!tpu.dma_semaphore, #tpu.memory_space<semaphore_mem>>) src(%dma_wait3A_150 : memref<128x64xf32, #tpu.memory_space<vmem>>) dst(%dma_wait3A_146 : memref<128x64xf32, #tpu.memory_space<vmem_shared>>)
      tpu.yield
    }) : () -> ()
    "tpu.region"() ({
      %run_scoped3A_126 = tpu.sem_alloc : memref<!tpu.dma_semaphore, #tpu.memory_space<semaphore_mem>>
      %dma_start3A_127 = arith.constant 0 : i32
      %dma_start3A_128 = tpu.memref_slice %arg12[%add3A_10, %dma_start3A_127] : memref<10240x16xf32, #tpu.memory_space<vmem_shared>> -> memref<128x16xf32, #tpu.memory_space<vmem_shared>>
      %dma_start3A_129 = arith.constant 0 : i32
      %dma_start3A_130 = tpu.memref_slice %arg12[%add3A_10, %dma_start3A_129] : memref<10240x16xf32, #tpu.memory_space<vmem_shared>> -> memref<128x16xf32, #tpu.memory_space<vmem_shared>>
      tpu.enqueue_dma source(%arg10 : memref<128x16xf32, #tpu.memory_space<vmem>>) target(%dma_start3A_130 : memref<128x16xf32, #tpu.memory_space<vmem_shared>>) target_semaphore(%run_scoped3A_126 : memref<!tpu.dma_semaphore, #tpu.memory_space<semaphore_mem>>)
      %dma_wait3A_131 = arith.constant 0 : i32
      %dma_wait3A_132 = tpu.memref_slice %arg12[%add3A_10, %dma_wait3A_131] : memref<10240x16xf32, #tpu.memory_space<vmem_shared>> -> memref<128x16xf32, #tpu.memory_space<vmem_shared>>
      %dma_wait3A_133 = arith.constant 0 : i32
      %dma_wait3A_134 = tpu.memref_slice %arg12[%add3A_10, %dma_wait3A_133] : memref<10240x16xf32, #tpu.memory_space<vmem_shared>> -> memref<128x16xf32, #tpu.memory_space<vmem_shared>>
      tpu.wait_dma2 semaphore(%run_scoped3A_126 : memref<!tpu.dma_semaphore, #tpu.memory_space<semaphore_mem>>) src(%arg10 : memref<128x16xf32, #tpu.memory_space<vmem>>) dst(%dma_wait3A_134 : memref<128x16xf32, #tpu.memory_space<vmem_shared>>)
      tpu.yield
    }) : () -> ()
    %mul3A_11 = arith.constant 640 : i32
    %mul3A_12 = arith.muli %arg1, %mul3A_11 : i32
    %add3A_13 = arith.constant 128 : i32
    %add3A_14 = arith.addi %mul3A_12, %add3A_13 : i32
    %run_scoped3A_15 = arith.constant 0 : i32
    "tpu.region"() ({
      %run_scoped3A_126 = tpu.sem_alloc : memref<!tpu.dma_semaphore, #tpu.memory_space<semaphore_mem>>
      %dma_start3A_127 = arith.constant 0 : i32
      %dma_start3A_128 = arith.constant 0 : i32
      %dma_start3A_129 = tpu.memref_slice %arg9[%run_scoped3A_15, %dma_start3A_127, %dma_start3A_128] : memref<4x128x64xf32, #tpu.memory_space<vmem>> -> memref<1x128x64xf32, #tpu.memory_space<vmem>>
      %dma_start3A_130 = tpu.memref_squeeze %dma_start3A_129 : memref<1x128x64xf32, #tpu.memory_space<vmem>> -> memref<128x64xf32, #tpu.memory_space<vmem>>
      %dma_start3A_131 = arith.constant 0 : i32
      %dma_start3A_132 = tpu.memref_slice %arg11[%add3A_14, %dma_start3A_131] : memref<10240x64xf32, #tpu.memory_space<vmem_shared>> -> memref<128x64xf32, #tpu.memory_space<vmem_shared>>
      %dma_start3A_133 = arith.constant 0 : i32
      %dma_start3A_134 = tpu.memref_slice %arg11[%add3A_14, %dma_start3A_133] : memref<10240x64xf32, #tpu.memory_space<vmem_shared>> -> memref<128x64xf32, #tpu.memory_space<vmem_shared>>
      %dma_start3A_135 = arith.constant 0 : i32
      %dma_start3A_136 = arith.constant 0 : i32
      %dma_start3A_137 = tpu.memref_slice %arg9[%run_scoped3A_15, %dma_start3A_135, %dma_start3A_136] : memref<4x128x64xf32, #tpu.memory_space<vmem>> -> memref<1x128x64xf32, #tpu.memory_space<vmem>>
      %dma_start3A_138 = tpu.memref_squeeze %dma_start3A_137 : memref<1x128x64xf32, #tpu.memory_space<vmem>> -> memref<128x64xf32, #tpu.memory_space<vmem>>
      tpu.enqueue_dma source(%dma_start3A_138 : memref<128x64xf32, #tpu.memory_space<vmem>>) target(%dma_start3A_134 : memref<128x64xf32, #tpu.memory_space<vmem_shared>>) target_semaphore(%run_scoped3A_126 : memref<!tpu.dma_semaphore, #tpu.memory_space<semaphore_mem>>)
      %dma_wait3A_139 = arith.constant 0 : i32
      %dma_wait3A_140 = arith.constant 0 : i32
      %dma_wait3A_141 = tpu.memref_slice %arg9[%run_scoped3A_15, %dma_wait3A_139, %dma_wait3A_140] : memref<4x128x64xf32, #tpu.memory_space<vmem>> -> memref<1x128x64xf32, #tpu.memory_space<vmem>>
      %dma_wait3A_142 = tpu.memref_squeeze %dma_wait3A_141 : memref<1x128x64xf32, #tpu.memory_space<vmem>> -> memref<128x64xf32, #tpu.memory_space<vmem>>
      %dma_wait3A_143 = arith.constant 0 : i32
      %dma_wait3A_144 = tpu.memref_slice %arg11[%add3A_14, %dma_wait3A_143] : memref<10240x64xf32, #tpu.memory_space<vmem_shared>> -> memref<128x64xf32, #tpu.memory_space<vmem_shared>>
      %dma_wait3A_145 = arith.constant 0 : i32
      %dma_wait3A_146 = tpu.memref_slice %arg11[%add3A_14, %dma_wait3A_145] : memref<10240x64xf32, #tpu.memory_space<vmem_shared>> -> memref<128x64xf32, #tpu.memory_space<vmem_shared>>
      %dma_wait3A_147 = arith.constant 0 : i32
      %dma_wait3A_148 = arith.constant 0 : i32
      %dma_wait3A_149 = tpu.memref_slice %arg9[%run_scoped3A_15, %dma_wait3A_147, %dma_wait3A_148] : memref<4x128x64xf32, #tpu.memory_space<vmem>> -> memref<1x128x64xf32, #tpu.memory_space<vmem>>
      %dma_wait3A_150 = tpu.memref_squeeze %dma_wait3A_149 : memref<1x128x64xf32, #tpu.memory_space<vmem>> -> memref<128x64xf32, #tpu.memory_space<vmem>>
      tpu.wait_dma2 semaphore(%run_scoped3A_126 : memref<!tpu.dma_semaphore, #tpu.memory_space<semaphore_mem>>) src(%dma_wait3A_150 : memref<128x64xf32, #tpu.memory_space<vmem>>) dst(%dma_wait3A_146 : memref<128x64xf32, #tpu.memory_space<vmem_shared>>)
      tpu.yield
    }) : () -> ()
    "tpu.region"() ({
      %run_scoped3A_126 = tpu.sem_alloc : memref<!tpu.dma_semaphore, #tpu.memory_space<semaphore_mem>>
      %dma_start3A_127 = arith.constant 0 : i32
      %dma_start3A_128 = tpu.memref_slice %arg12[%add3A_14, %dma_start3A_127] : memref<10240x16xf32, #tpu.memory_space<vmem_shared>> -> memref<128x16xf32, #tpu.memory_space<vmem_shared>>
      %dma_start3A_129 = arith.constant 0 : i32
      %dma_start3A_130 = tpu.memref_slice %arg12[%add3A_14, %dma_start3A_129] : memref<10240x16xf32, #tpu.memory_space<vmem_shared>> -> memref<128x16xf32, #tpu.memory_space<vmem_shared>>
      tpu.enqueue_dma source(%arg10 : memref<128x16xf32, #tpu.memory_space<vmem>>) target(%dma_start3A_130 : memref<128x16xf32, #tpu.memory_space<vmem_shared>>) target_semaphore(%run_scoped3A_126 : memref<!tpu.dma_semaphore, #tpu.memory_space<semaphore_mem>>)
      %dma_wait3A_131 = arith.constant 0 : i32
      %dma_wait3A_132 = tpu.memref_slice %arg12[%add3A_14, %dma_wait3A_131] : memref<10240x16xf32, #tpu.memory_space<vmem_shared>> -> memref<128x16xf32, #tpu.memory_space<vmem_shared>>
      %dma_wait3A_133 = arith.constant 0 : i32
      %dma_wait3A_134 = tpu.memref_slice %arg12[%add3A_14, %dma_wait3A_133] : memref<10240x16xf32, #tpu.memory_space<vmem_shared>> -> memref<128x16xf32, #tpu.memory_space<vmem_shared>>
      tpu.wait_dma2 semaphore(%run_scoped3A_126 : memref<!tpu.dma_semaphore, #tpu.memory_space<semaphore_mem>>) src(%arg10 : memref<128x16xf32, #tpu.memory_space<vmem>>) dst(%dma_wait3A_134 : memref<128x16xf32, #tpu.memory_space<vmem_shared>>)
      tpu.yield
    }) : () -> ()
    %mul3A_16 = arith.constant 640 : i32
    %mul3A_17 = arith.muli %arg1, %mul3A_16 : i32
    %add3A_18 = arith.constant 256 : i32
    %add3A_19 = arith.addi %mul3A_17, %add3A_18 : i32
    %run_scoped3A_20 = arith.constant 0 : i32
    "tpu.region"() ({
      %run_scoped3A_126 = tpu.sem_alloc : memref<!tpu.dma_semaphore, #tpu.memory_space<semaphore_mem>>
      %dma_start3A_127 = arith.constant 0 : i32
      %dma_start3A_128 = arith.constant 0 : i32
      %dma_start3A_129 = tpu.memref_slice %arg9[%run_scoped3A_20, %dma_start3A_127, %dma_start3A_128] : memref<4x128x64xf32, #tpu.memory_space<vmem>> -> memref<1x128x64xf32, #tpu.memory_space<vmem>>
      %dma_start3A_130 = tpu.memref_squeeze %dma_start3A_129 : memref<1x128x64xf32, #tpu.memory_space<vmem>> -> memref<128x64xf32, #tpu.memory_space<vmem>>
      %dma_start3A_131 = arith.constant 0 : i32
      %dma_start3A_132 = tpu.memref_slice %arg11[%add3A_19, %dma_start3A_131] : memref<10240x64xf32, #tpu.memory_space<vmem_shared>> -> memref<128x64xf32, #tpu.memory_space<vmem_shared>>
      %dma_start3A_133 = arith.constant 0 : i32
      %dma_start3A_134 = tpu.memref_slice %arg11[%add3A_19, %dma_start3A_133] : memref<10240x64xf32, #tpu.memory_space<vmem_shared>> -> memref<128x64xf32, #tpu.memory_space<vmem_shared>>
      %dma_start3A_135 = arith.constant 0 : i32
      %dma_start3A_136 = arith.constant 0 : i32
      %dma_start3A_137 = tpu.memref_slice %arg9[%run_scoped3A_20, %dma_start3A_135, %dma_start3A_136] : memref<4x128x64xf32, #tpu.memory_space<vmem>> -> memref<1x128x64xf32, #tpu.memory_space<vmem>>
      %dma_start3A_138 = tpu.memref_squeeze %dma_start3A_137 : memref<1x128x64xf32, #tpu.memory_space<vmem>> -> memref<128x64xf32, #tpu.memory_space<vmem>>
      tpu.enqueue_dma source(%dma_start3A_138 : memref<128x64xf32, #tpu.memory_space<vmem>>) target(%dma_start3A_134 : memref<128x64xf32, #tpu.memory_space<vmem_shared>>) target_semaphore(%run_scoped3A_126 : memref<!tpu.dma_semaphore, #tpu.memory_space<semaphore_mem>>)
      %dma_wait3A_139 = arith.constant 0 : i32
      %dma_wait3A_140 = arith.constant 0 : i32
      %dma_wait3A_141 = tpu.memref_slice %arg9[%run_scoped3A_20, %dma_wait3A_139, %dma_wait3A_140] : memref<4x128x64xf32, #tpu.memory_space<vmem>> -> memref<1x128x64xf32, #tpu.memory_space<vmem>>
      %dma_wait3A_142 = tpu.memref_squeeze %dma_wait3A_141 : memref<1x128x64xf32, #tpu.memory_space<vmem>> -> memref<128x64xf32, #tpu.memory_space<vmem>>
      %dma_wait3A_143 = arith.constant 0 : i32
      %dma_wait3A_144 = tpu.memref_slice %arg11[%add3A_19, %dma_wait3A_143] : memref<10240x64xf32, #tpu.memory_space<vmem_shared>> -> memref<128x64xf32, #tpu.memory_space<vmem_shared>>
      %dma_wait3A_145 = arith.constant 0 : i32
      %dma_wait3A_146 = tpu.memref_slice %arg11[%add3A_19, %dma_wait3A_145] : memref<10240x64xf32, #tpu.memory_space<vmem_shared>> -> memref<128x64xf32, #tpu.memory_space<vmem_shared>>
      %dma_wait3A_147 = arith.constant 0 : i32
      %dma_wait3A_148 = arith.constant 0 : i32
      %dma_wait3A_149 = tpu.memref_slice %arg9[%run_scoped3A_20, %dma_wait3A_147, %dma_wait3A_148] : memref<4x128x64xf32, #tpu.memory_space<vmem>> -> memref<1x128x64xf32, #tpu.memory_space<vmem>>
      %dma_wait3A_150 = tpu.memref_squeeze %dma_wait3A_149 : memref<1x128x64xf32, #tpu.memory_space<vmem>> -> memref<128x64xf32, #tpu.memory_space<vmem>>
      tpu.wait_dma2 semaphore(%run_scoped3A_126 : memref<!tpu.dma_semaphore, #tpu.memory_space<semaphore_mem>>) src(%dma_wait3A_150 : memref<128x64xf32, #tpu.memory_space<vmem>>) dst(%dma_wait3A_146 : memref<128x64xf32, #tpu.memory_space<vmem_shared>>)
      tpu.yield
    }) : () -> ()
    "tpu.region"() ({
      %run_scoped3A_126 = tpu.sem_alloc : memref<!tpu.dma_semaphore, #tpu.memory_space<semaphore_mem>>
      %dma_start3A_127 = arith.constant 0 : i32
      %dma_start3A_128 = tpu.memref_slice %arg12[%add3A_19, %dma_start3A_127] : memref<10240x16xf32, #tpu.memory_space<vmem_shared>> -> memref<128x16xf32, #tpu.memory_space<vmem_shared>>
      %dma_start3A_129 = arith.constant 0 : i32
      %dma_start3A_130 = tpu.memref_slice %arg12[%add3A_19, %dma_start3A_129] : memref<10240x16xf32, #tpu.memory_space<vmem_shared>> -> memref<128x16xf32, #tpu.memory_space<vmem_shared>>
      tpu.enqueue_dma source(%arg10 : memref<128x16xf32, #tpu.memory_space<vmem>>) target(%dma_start3A_130 : memref<128x16xf32, #tpu.memory_space<vmem_shared>>) target_semaphore(%run_scoped3A_126 : memref<!tpu.dma_semaphore, #tpu.memory_space<semaphore_mem>>)
      %dma_wait3A_131 = arith.constant 0 : i32
      %dma_wait3A_132 = tpu.memref_slice %arg12[%add3A_19, %dma_wait3A_131] : memref<10240x16xf32, #tpu.memory_space<vmem_shared>> -> memref<128x16xf32, #tpu.memory_space<vmem_shared>>
      %dma_wait3A_133 = arith.constant 0 : i32
      %dma_wait3A_134 = tpu.memref_slice %arg12[%add3A_19, %dma_wait3A_133] : memref<10240x16xf32, #tpu.memory_space<vmem_shared>> -> memref<128x16xf32, #tpu.memory_space<vmem_shared>>
      tpu.wait_dma2 semaphore(%run_scoped3A_126 : memref<!tpu.dma_semaphore, #tpu.memory_space<semaphore_mem>>) src(%arg10 : memref<128x16xf32, #tpu.memory_space<vmem>>) dst(%dma_wait3A_134 : memref<128x16xf32, #tpu.memory_space<vmem_shared>>)
      tpu.yield
    }) : () -> ()
    %mul3A_21 = arith.constant 640 : i32
    %mul3A_22 = arith.muli %arg1, %mul3A_21 : i32
    %add3A_23 = arith.constant 384 : i32
    %add3A_24 = arith.addi %mul3A_22, %add3A_23 : i32
    %run_scoped3A_25 = arith.constant 0 : i32
    "tpu.region"() ({
      %run_scoped3A_126 = tpu.sem_alloc : memref<!tpu.dma_semaphore, #tpu.memory_space<semaphore_mem>>
      %dma_start3A_127 = arith.constant 0 : i32
      %dma_start3A_128 = arith.constant 0 : i32
      %dma_start3A_129 = tpu.memref_slice %arg9[%run_scoped3A_25, %dma_start3A_127, %dma_start3A_128] : memref<4x128x64xf32, #tpu.memory_space<vmem>> -> memref<1x128x64xf32, #tpu.memory_space<vmem>>
      %dma_start3A_130 = tpu.memref_squeeze %dma_start3A_129 : memref<1x128x64xf32, #tpu.memory_space<vmem>> -> memref<128x64xf32, #tpu.memory_space<vmem>>
      %dma_start3A_131 = arith.constant 0 : i32
      %dma_start3A_132 = tpu.memref_slice %arg11[%add3A_24, %dma_start3A_131] : memref<10240x64xf32, #tpu.memory_space<vmem_shared>> -> memref<128x64xf32, #tpu.memory_space<vmem_shared>>
      %dma_start3A_133 = arith.constant 0 : i32
      %dma_start3A_134 = tpu.memref_slice %arg11[%add3A_24, %dma_start3A_133] : memref<10240x64xf32, #tpu.memory_space<vmem_shared>> -> memref<128x64xf32, #tpu.memory_space<vmem_shared>>
      %dma_start3A_135 = arith.constant 0 : i32
      %dma_start3A_136 = arith.constant 0 : i32
      %dma_start3A_137 = tpu.memref_slice %arg9[%run_scoped3A_25, %dma_start3A_135, %dma_start3A_136] : memref<4x128x64xf32, #tpu.memory_space<vmem>> -> memref<1x128x64xf32, #tpu.memory_space<vmem>>
      %dma_start3A_138 = tpu.memref_squeeze %dma_start3A_137 : memref<1x128x64xf32, #tpu.memory_space<vmem>> -> memref<128x64xf32, #tpu.memory_space<vmem>>
      tpu.enqueue_dma source(%dma_start3A_138 : memref<128x64xf32, #tpu.memory_space<vmem>>) target(%dma_start3A_134 : memref<128x64xf32, #tpu.memory_space<vmem_shared>>) target_semaphore(%run_scoped3A_126 : memref<!tpu.dma_semaphore, #tpu.memory_space<semaphore_mem>>)
      %dma_wait3A_139 = arith.constant 0 : i32
      %dma_wait3A_140 = arith.constant 0 : i32
      %dma_wait3A_141 = tpu.memref_slice %arg9[%run_scoped3A_25, %dma_wait3A_139, %dma_wait3A_140] : memref<4x128x64xf32, #tpu.memory_space<vmem>> -> memref<1x128x64xf32, #tpu.memory_space<vmem>>
      %dma_wait3A_142 = tpu.memref_squeeze %dma_wait3A_141 : memref<1x128x64xf32, #tpu.memory_space<vmem>> -> memref<128x64xf32, #tpu.memory_space<vmem>>
      %dma_wait3A_143 = arith.constant 0 : i32
      %dma_wait3A_144 = tpu.memref_slice %arg11[%add3A_24, %dma_wait3A_143] : memref<10240x64xf32, #tpu.memory_space<vmem_shared>> -> memref<128x64xf32, #tpu.memory_space<vmem_shared>>
      %dma_wait3A_145 = arith.constant 0 : i32
      %dma_wait3A_146 = tpu.memref_slice %arg11[%add3A_24, %dma_wait3A_145] : memref<10240x64xf32, #tpu.memory_space<vmem_shared>> -> memref<128x64xf32, #tpu.memory_space<vmem_shared>>
      %dma_wait3A_147 = arith.constant 0 : i32
      %dma_wait3A_148 = arith.constant 0 : i32
      %dma_wait3A_149 = tpu.memref_slice %arg9[%run_scoped3A_25, %dma_wait3A_147, %dma_wait3A_148] : memref<4x128x64xf32, #tpu.memory_space<vmem>> -> memref<1x128x64xf32, #tpu.memory_space<vmem>>
      %dma_wait3A_150 = tpu.memref_squeeze %dma_wait3A_149 : memref<1x128x64xf32, #tpu.memory_space<vmem>> -> memref<128x64xf32, #tpu.memory_space<vmem>>
      tpu.wait_dma2 semaphore(%run_scoped3A_126 : memref<!tpu.dma_semaphore, #tpu.memory_space<semaphore_mem>>) src(%dma_wait3A_150 : memref<128x64xf32, #tpu.memory_space<vmem>>) dst(%dma_wait3A_146 : memref<128x64xf32, #tpu.memory_space<vmem_shared>>)
      tpu.yield
    }) : () -> ()
    "tpu.region"() ({
      %run_scoped3A_126 = tpu.sem_alloc : memref<!tpu.dma_semaphore, #tpu.memory_space<semaphore_mem>>
      %dma_start3A_127 = arith.constant 0 : i32
      %dma_start3A_128 = tpu.memref_slice %arg12[%add3A_24, %dma_start3A_127] : memref<10240x16xf32, #tpu.memory_space<vmem_shared>> -> memref<128x16xf32, #tpu.memory_space<vmem_shared>>
      %dma_start3A_129 = arith.constant 0 : i32
      %dma_start3A_130 = tpu.memref_slice %arg12[%add3A_24, %dma_start3A_129] : memref<10240x16xf32, #tpu.memory_space<vmem_shared>> -> memref<128x16xf32, #tpu.memory_space<vmem_shared>>
      tpu.enqueue_dma source(%arg10 : memref<128x16xf32, #tpu.memory_space<vmem>>) target(%dma_start3A_130 : memref<128x16xf32, #tpu.memory_space<vmem_shared>>) target_semaphore(%run_scoped3A_126 : memref<!tpu.dma_semaphore, #tpu.memory_space<semaphore_mem>>)
      %dma_wait3A_131 = arith.constant 0 : i32
      %dma_wait3A_132 = tpu.memref_slice %arg12[%add3A_24, %dma_wait3A_131] : memref<10240x16xf32, #tpu.memory_space<vmem_shared>> -> memref<128x16xf32, #tpu.memory_space<vmem_shared>>
      %dma_wait3A_133 = arith.constant 0 : i32
      %dma_wait3A_134 = tpu.memref_slice %arg12[%add3A_24, %dma_wait3A_133] : memref<10240x16xf32, #tpu.memory_space<vmem_shared>> -> memref<128x16xf32, #tpu.memory_space<vmem_shared>>
      tpu.wait_dma2 semaphore(%run_scoped3A_126 : memref<!tpu.dma_semaphore, #tpu.memory_space<semaphore_mem>>) src(%arg10 : memref<128x16xf32, #tpu.memory_space<vmem>>) dst(%dma_wait3A_134 : memref<128x16xf32, #tpu.memory_space<vmem_shared>>)
      tpu.yield
    }) : () -> ()
    %mul3A_26 = arith.constant 640 : i32
    %mul3A_27 = arith.muli %arg1, %mul3A_26 : i32
    %add3A_28 = arith.constant 512 : i32
    %add3A_29 = arith.addi %mul3A_27, %add3A_28 : i32
    %run_scoped3A_30 = arith.constant 0 : i32
    "tpu.region"() ({
      %run_scoped3A_126 = tpu.sem_alloc : memref<!tpu.dma_semaphore, #tpu.memory_space<semaphore_mem>>
      %dma_start3A_127 = arith.constant 0 : i32
      %dma_start3A_128 = arith.constant 0 : i32
      %dma_start3A_129 = tpu.memref_slice %arg9[%run_scoped3A_30, %dma_start3A_127, %dma_start3A_128] : memref<4x128x64xf32, #tpu.memory_space<vmem>> -> memref<1x128x64xf32, #tpu.memory_space<vmem>>
      %dma_start3A_130 = tpu.memref_squeeze %dma_start3A_129 : memref<1x128x64xf32, #tpu.memory_space<vmem>> -> memref<128x64xf32, #tpu.memory_space<vmem>>
      %dma_start3A_131 = arith.constant 0 : i32
      %dma_start3A_132 = tpu.memref_slice %arg11[%add3A_29, %dma_start3A_131] : memref<10240x64xf32, #tpu.memory_space<vmem_shared>> -> memref<128x64xf32, #tpu.memory_space<vmem_shared>>
      %dma_start3A_133 = arith.constant 0 : i32
      %dma_start3A_134 = tpu.memref_slice %arg11[%add3A_29, %dma_start3A_133] : memref<10240x64xf32, #tpu.memory_space<vmem_shared>> -> memref<128x64xf32, #tpu.memory_space<vmem_shared>>
      %dma_start3A_135 = arith.constant 0 : i32
      %dma_start3A_136 = arith.constant 0 : i32
      %dma_start3A_137 = tpu.memref_slice %arg9[%run_scoped3A_30, %dma_start3A_135, %dma_start3A_136] : memref<4x128x64xf32, #tpu.memory_space<vmem>> -> memref<1x128x64xf32, #tpu.memory_space<vmem>>
      %dma_start3A_138 = tpu.memref_squeeze %dma_start3A_137 : memref<1x128x64xf32, #tpu.memory_space<vmem>> -> memref<128x64xf32, #tpu.memory_space<vmem>>
      tpu.enqueue_dma source(%dma_start3A_138 : memref<128x64xf32, #tpu.memory_space<vmem>>) target(%dma_start3A_134 : memref<128x64xf32, #tpu.memory_space<vmem_shared>>) target_semaphore(%run_scoped3A_126 : memref<!tpu.dma_semaphore, #tpu.memory_space<semaphore_mem>>)
      %dma_wait3A_139 = arith.constant 0 : i32
      %dma_wait3A_140 = arith.constant 0 : i32
      %dma_wait3A_141 = tpu.memref_slice %arg9[%run_scoped3A_30, %dma_wait3A_139, %dma_wait3A_140] : memref<4x128x64xf32, #tpu.memory_space<vmem>> -> memref<1x128x64xf32, #tpu.memory_space<vmem>>
      %dma_wait3A_142 = tpu.memref_squeeze %dma_wait3A_141 : memref<1x128x64xf32, #tpu.memory_space<vmem>> -> memref<128x64xf32, #tpu.memory_space<vmem>>
      %dma_wait3A_143 = arith.constant 0 : i32
      %dma_wait3A_144 = tpu.memref_slice %arg11[%add3A_29, %dma_wait3A_143] : memref<10240x64xf32, #tpu.memory_space<vmem_shared>> -> memref<128x64xf32, #tpu.memory_space<vmem_shared>>
      %dma_wait3A_145 = arith.constant 0 : i32
      %dma_wait3A_146 = tpu.memref_slice %arg11[%add3A_29, %dma_wait3A_145] : memref<10240x64xf32, #tpu.memory_space<vmem_shared>> -> memref<128x64xf32, #tpu.memory_space<vmem_shared>>
      %dma_wait3A_147 = arith.constant 0 : i32
      %dma_wait3A_148 = arith.constant 0 : i32
      %dma_wait3A_149 = tpu.memref_slice %arg9[%run_scoped3A_30, %dma_wait3A_147, %dma_wait3A_148] : memref<4x128x64xf32, #tpu.memory_space<vmem>> -> memref<1x128x64xf32, #tpu.memory_space<vmem>>
      %dma_wait3A_150 = tpu.memref_squeeze %dma_wait3A_149 : memref<1x128x64xf32, #tpu.memory_space<vmem>> -> memref<128x64xf32, #tpu.memory_space<vmem>>
      tpu.wait_dma2 semaphore(%run_scoped3A_126 : memref<!tpu.dma_semaphore, #tpu.memory_space<semaphore_mem>>) src(%dma_wait3A_150 : memref<128x64xf32, #tpu.memory_space<vmem>>) dst(%dma_wait3A_146 : memref<128x64xf32, #tpu.memory_space<vmem_shared>>)
      tpu.yield
    }) : () -> ()
    "tpu.region"() ({
      %run_scoped3A_126 = tpu.sem_alloc : memref<!tpu.dma_semaphore, #tpu.memory_space<semaphore_mem>>
      %dma_start3A_127 = arith.constant 0 : i32
      %dma_start3A_128 = tpu.memref_slice %arg12[%add3A_29, %dma_start3A_127] : memref<10240x16xf32, #tpu.memory_space<vmem_shared>> -> memref<128x16xf32, #tpu.memory_space<vmem_shared>>
      %dma_start3A_129 = arith.constant 0 : i32
      %dma_start3A_130 = tpu.memref_slice %arg12[%add3A_29, %dma_start3A_129] : memref<10240x16xf32, #tpu.memory_space<vmem_shared>> -> memref<128x16xf32, #tpu.memory_space<vmem_shared>>
      tpu.enqueue_dma source(%arg10 : memref<128x16xf32, #tpu.memory_space<vmem>>) target(%dma_start3A_130 : memref<128x16xf32, #tpu.memory_space<vmem_shared>>) target_semaphore(%run_scoped3A_126 : memref<!tpu.dma_semaphore, #tpu.memory_space<semaphore_mem>>)
      %dma_wait3A_131 = arith.constant 0 : i32
      %dma_wait3A_132 = tpu.memref_slice %arg12[%add3A_29, %dma_wait3A_131] : memref<10240x16xf32, #tpu.memory_space<vmem_shared>> -> memref<128x16xf32, #tpu.memory_space<vmem_shared>>
      %dma_wait3A_133 = arith.constant 0 : i32
      %dma_wait3A_134 = tpu.memref_slice %arg12[%add3A_29, %dma_wait3A_133] : memref<10240x16xf32, #tpu.memory_space<vmem_shared>> -> memref<128x16xf32, #tpu.memory_space<vmem_shared>>
      tpu.wait_dma2 semaphore(%run_scoped3A_126 : memref<!tpu.dma_semaphore, #tpu.memory_space<semaphore_mem>>) src(%arg10 : memref<128x16xf32, #tpu.memory_space<vmem>>) dst(%dma_wait3A_134 : memref<128x16xf32, #tpu.memory_space<vmem_shared>>)
      tpu.yield
    }) : () -> ()
    %scan3A_31 = arith.constant 0 : i32
    %scan3A_32 = arith.constant 0 : i32
    %scan3A_33 = arith.constant 128 : i32
    %scan3A_34 = arith.addi %scan3A_32, %scan3A_33 : i32
    %scan3A_35 = arith.constant 1 : i32
    %scan3A_36 = scf.for %scan3A_126 = %scan3A_32 to %scan3A_34 step %scan3A_35 iter_args(%scan3A_127 = %scan3A_31) -> (i32)  : i32 {
      %swap3A = arith.index_cast %scan3A_126 : i32 to index
      %swap3A_128 = arith.constant 0 : index
      %swap3A_129 = tpu.vector_load %arg10[%swap3A, %swap3A_128] {strides = array<i32>} : memref<128x16xf32, #tpu.memory_space<vmem>>, vector<1x16xf32>,
      %swap3A_130 = vector.shape_cast %swap3A_129 : vector<1x16xf32> to vector<16xf32>
      %swap3A_131 = vector.shape_cast %broadcast_in_dim3A_2 : vector<16xf32> to vector<1x16xf32>
      tpu.vector_store %arg10[%swap3A, %swap3A_128], %swap3A_131 {strides = array<i32>} : memref<128x16xf32, #tpu.memory_space<vmem>>, vector<1x16xf32>,
      %scan3A_132 = arith.constant 0 : i32
      scf.yield %scan3A_132 : i32
    }
    %scan3A_37 = arith.constant 128 : i32
    "tpu.region"() ({
      %run_scoped3A_126 = tpu.sem_alloc : memref<!tpu.dma_semaphore, #tpu.memory_space<semaphore_mem>>
      %dma_start3A_127 = arith.constant 0 : i32
      %dma_start3A_128 = arith.constant 0 : i32
      %dma_start3A_129 = tpu.memref_slice %arg3[%arg0, %arg1, %dma_start3A_127, %dma_start3A_128] : memref<2x16x160x128xi32, #tpu.memory_space<hbm>> -> memref<1x1x160x128xi32, #tpu.memory_space<hbm>>
      %dma_start3A_130 = tpu.memref_squeeze %dma_start3A_129 : memref<1x1x160x128xi32, #tpu.memory_space<hbm>> -> memref<160x128xi32, #tpu.memory_space<hbm>>
      %dma_start3A_131 = arith.constant 0 : i32
      %dma_start3A_132 = arith.constant 0 : i32
      %dma_start3A_133 = tpu.memref_slice %arg3[%arg0, %arg1, %dma_start3A_131, %dma_start3A_132] : memref<2x16x160x128xi32, #tpu.memory_space<hbm>> -> memref<1x1x160x128xi32, #tpu.memory_space<hbm>>
      %dma_start3A_134 = tpu.memref_squeeze %dma_start3A_133 : memref<1x1x160x128xi32, #tpu.memory_space<hbm>> -> memref<160x128xi32, #tpu.memory_space<hbm>>
      tpu.enqueue_dma source(%dma_start3A_134 : memref<160x128xi32, #tpu.memory_space<hbm>>) target(%arg7 : memref<160x128xi32, #tpu.memory_space<vmem>>) target_semaphore(%run_scoped3A_126 : memref<!tpu.dma_semaphore, #tpu.memory_space<semaphore_mem>>)
      %dma_wait3A_135 = arith.constant 0 : i32
      %dma_wait3A_136 = arith.constant 0 : i32
      %dma_wait3A_137 = tpu.memref_slice %arg3[%arg0, %arg1, %dma_wait3A_135, %dma_wait3A_136] : memref<2x16x160x128xi32, #tpu.memory_space<hbm>> -> memref<1x1x160x128xi32, #tpu.memory_space<hbm>>
      %dma_wait3A_138 = tpu.memref_squeeze %dma_wait3A_137 : memref<1x1x160x128xi32, #tpu.memory_space<hbm>> -> memref<160x128xi32, #tpu.memory_space<hbm>>
      %dma_wait3A_139 = arith.constant 0 : i32
      %dma_wait3A_140 = arith.constant 0 : i32
      %dma_wait3A_141 = tpu.memref_slice %arg3[%arg0, %arg1, %dma_wait3A_139, %dma_wait3A_140] : memref<2x16x160x128xi32, #tpu.memory_space<hbm>> -> memref<1x1x160x128xi32, #tpu.memory_space<hbm>>
      %dma_wait3A_142 = tpu.memref_squeeze %dma_wait3A_141 : memref<1x1x160x128xi32, #tpu.memory_space<hbm>> -> memref<160x128xi32, #tpu.memory_space<hbm>>
      tpu.wait_dma2 semaphore(%run_scoped3A_126 : memref<!tpu.dma_semaphore, #tpu.memory_space<semaphore_mem>>) src(%dma_wait3A_142 : memref<160x128xi32, #tpu.memory_space<hbm>>) dst(%arg7 : memref<160x128xi32, #tpu.memory_space<vmem>>)
      tpu.yield
    }) : () -> ()
    "tpu.region"() ({
      %run_scoped3A_126 = tpu.sem_alloc : memref<!tpu.dma_semaphore, #tpu.memory_space<semaphore_mem>>
      %dma_start3A_127 = arith.constant 0 : i32
      %dma_start3A_128 = arith.constant 0 : i32
      %dma_start3A_129 = tpu.memref_slice %arg4[%arg1, %dma_start3A_127, %dma_start3A_128] : memref<16x160x128xi32, #tpu.memory_space<hbm>> -> memref<1x160x128xi32, #tpu.memory_space<hbm>>
      %dma_start3A_130 = tpu.memref_squeeze %dma_start3A_129 : memref<1x160x128xi32, #tpu.memory_space<hbm>> -> memref<160x128xi32, #tpu.memory_space<hbm>>
      %dma_start3A_131 = arith.constant 0 : i32
      %dma_start3A_132 = arith.constant 0 : i32
      %dma_start3A_133 = tpu.memref_slice %arg4[%arg1, %dma_start3A_131, %dma_start3A_132] : memref<16x160x128xi32, #tpu.memory_space<hbm>> -> memref<1x160x128xi32, #tpu.memory_space<hbm>>
      %dma_start3A_134 = tpu.memref_squeeze %dma_start3A_133 : memref<1x160x128xi32, #tpu.memory_space<hbm>> -> memref<160x128xi32, #tpu.memory_space<hbm>>
      tpu.enqueue_dma source(%dma_start3A_134 : memref<160x128xi32, #tpu.memory_space<hbm>>) target(%arg8 : memref<160x128xi32, #tpu.memory_space<vmem>>) target_semaphore(%run_scoped3A_126 : memref<!tpu.dma_semaphore, #tpu.memory_space<semaphore_mem>>)
      %dma_wait3A_135 = arith.constant 0 : i32
      %dma_wait3A_136 = arith.constant 0 : i32
      %dma_wait3A_137 = tpu.memref_slice %arg4[%arg1, %dma_wait3A_135, %dma_wait3A_136] : memref<16x160x128xi32, #tpu.memory_space<hbm>> -> memref<1x160x128xi32, #tpu.memory_space<hbm>>
      %dma_wait3A_138 = tpu.memref_squeeze %dma_wait3A_137 : memref<1x160x128xi32, #tpu.memory_space<hbm>> -> memref<160x128xi32, #tpu.memory_space<hbm>>
      %dma_wait3A_139 = arith.constant 0 : i32
      %dma_wait3A_140 = arith.constant 0 : i32
      %dma_wait3A_141 = tpu.memref_slice %arg4[%arg1, %dma_wait3A_139, %dma_wait3A_140] : memref<16x160x128xi32, #tpu.memory_space<hbm>> -> memref<1x160x128xi32, #tpu.memory_space<hbm>>
      %dma_wait3A_142 = tpu.memref_squeeze %dma_wait3A_141 : memref<1x160x128xi32, #tpu.memory_space<hbm>> -> memref<160x128xi32, #tpu.memory_space<hbm>>
      tpu.wait_dma2 semaphore(%run_scoped3A_126 : memref<!tpu.dma_semaphore, #tpu.memory_space<semaphore_mem>>) src(%dma_wait3A_142 : memref<160x128xi32, #tpu.memory_space<hbm>>) dst(%arg8 : memref<160x128xi32, #tpu.memory_space<vmem>>)
      tpu.yield
    }) : () -> ()
    %barrier3A = arith.constant 0 : index
    tpu.barrier barrier_id(%barrier3A)
    %dma_start3A = arith.constant 0 : i32
    %dma_start3A_38 = arith.constant 0 : i32
    %dma_start3A_39 = arith.constant 0 : i32
    %dma_start3A_40 = arith.constant 0 : i32
    %dma_start3A_41 = tpu.memref_slice %arg9[%dma_start3A_38, %dma_start3A_39, %dma_start3A_40] : memref<4x128x64xf32, #tpu.memory_space<vmem>> -> memref<1x128x64xf32, #tpu.memory_space<vmem>>
    %dma_start3A_42 = tpu.memref_squeeze %dma_start3A_41 : memref<1x128x64xf32, #tpu.memory_space<vmem>> -> memref<128x64xf32, #tpu.memory_space<vmem>>
    %dma_start3A_43 = arith.constant 0 : i32
    %dma_start3A_44 = tpu.memref_slice %arg7[%dma_start3A, %dma_start3A_43] : memref<160x128xi32, #tpu.memory_space<vmem>> -> memref<1x128xi32, #tpu.memory_space<vmem>>
    %dma_start3A_45 = tpu.memref_squeeze %dma_start3A_44 : memref<1x128xi32, #tpu.memory_space<vmem>> -> memref<128xi32, #tpu.memory_space<vmem>>
    %dma_start3A_46 = arith.constant 0 : i32
    %dma_start3A_47 = arith.constant 0 : i32
    %dma_start3A_48 = tpu.memref_slice %arg2[%dma_start3A_46, %dma_start3A_47] : memref<20000x64xf32, #tpu.memory_space<hbm>> -> memref<20000x64xf32, #tpu.memory_space<hbm>>
    tpu.enqueue_indirect_dma source(%dma_start3A_48 : memref<20000x64xf32, #tpu.memory_space<hbm>>) target(%dma_start3A_42 : memref<128x64xf32, #tpu.memory_space<vmem>>) offsets(%dma_start3A_45 : memref<128xi32, #tpu.memory_space<vmem>>) semaphore(%arg13 : memref<!tpu.dma_semaphore, #tpu.memory_space<semaphore_mem>>)
    %dma_start3A_49 = arith.constant 1 : i32
    %dma_start3A_50 = arith.constant 1 : i32
    %dma_start3A_51 = arith.constant 0 : i32
    %dma_start3A_52 = arith.constant 0 : i32
    %dma_start3A_53 = tpu.memref_slice %arg9[%dma_start3A_50, %dma_start3A_51, %dma_start3A_52] : memref<4x128x64xf32, #tpu.memory_space<vmem>> -> memref<1x128x64xf32, #tpu.memory_space<vmem>>
    %dma_start3A_54 = tpu.memref_squeeze %dma_start3A_53 : memref<1x128x64xf32, #tpu.memory_space<vmem>> -> memref<128x64xf32, #tpu.memory_space<vmem>>
    %dma_start3A_55 = arith.constant 0 : i32
    %dma_start3A_56 = tpu.memref_slice %arg7[%dma_start3A_49, %dma_start3A_55] : memref<160x128xi32, #tpu.memory_space<vmem>> -> memref<1x128xi32, #tpu.memory_space<vmem>>
    %dma_start3A_57 = tpu.memref_squeeze %dma_start3A_56 : memref<1x128xi32, #tpu.memory_space<vmem>> -> memref<128xi32, #tpu.memory_space<vmem>>
    %dma_start3A_58 = arith.constant 0 : i32
    %dma_start3A_59 = arith.constant 0 : i32
    %dma_start3A_60 = tpu.memref_slice %arg2[%dma_start3A_58, %dma_start3A_59] : memref<20000x64xf32, #tpu.memory_space<hbm>> -> memref<20000x64xf32, #tpu.memory_space<hbm>>
    tpu.enqueue_indirect_dma source(%dma_start3A_60 : memref<20000x64xf32, #tpu.memory_space<hbm>>) target(%dma_start3A_54 : memref<128x64xf32, #tpu.memory_space<vmem>>) offsets(%dma_start3A_57 : memref<128xi32, #tpu.memory_space<vmem>>) semaphore(%arg14 : memref<!tpu.dma_semaphore, #tpu.memory_space<semaphore_mem>>)
    %scan3A_61 = arith.constant 0 : i32
    %scan3A_62 = arith.constant 0 : i32
    %scan3A_63 = arith.constant 40 : i32
    %scan3A_64 = arith.addi %scan3A_62, %scan3A_63 : i32
    %scan3A_65 = arith.constant 1 : i32
    %scan3A_66 = scf.for %scan3A_126 = %scan3A_62 to %scan3A_64 step %scan3A_65 iter_args(%scan3A_127 = %scan3A_61) -> (i32)  : i32 {
      %mul3A_128 = arith.constant 4 : i32
      %mul3A_129 = arith.muli %scan3A_126, %mul3A_128 : i32
      %add3A_130 = arith.constant 0 : i32
      %add3A_131 = arith.addi %mul3A_129, %add3A_130 : i32
      %dma_wait3A_132 = arith.constant 0 : i32
      %dma_wait3A_133 = arith.constant 0 : i32
      %dma_wait3A_134 = arith.constant 0 : i32
      %dma_wait3A_135 = tpu.memref_slice %arg9[%dma_wait3A_132, %dma_wait3A_133, %dma_wait3A_134] : memref<4x128x64xf32, #tpu.memory_space<vmem>> -> memref<1x128x64xf32, #tpu.memory_space<vmem>>
      %dma_wait3A_136 = tpu.memref_squeeze %dma_wait3A_135 : memref<1x128x64xf32, #tpu.memory_space<vmem>> -> memref<128x64xf32, #tpu.memory_space<vmem>>
      %dma_wait3A_137 = arith.constant 0 : i32
      %dma_wait3A_138 = tpu.memref_slice %arg7[%add3A_131, %dma_wait3A_137] : memref<160x128xi32, #tpu.memory_space<vmem>> -> memref<1x128xi32, #tpu.memory_space<vmem>>
      %dma_wait3A_139 = tpu.memref_squeeze %dma_wait3A_138 : memref<1x128xi32, #tpu.memory_space<vmem>> -> memref<128xi32, #tpu.memory_space<vmem>>
      %dma_wait3A_140 = arith.constant 0 : i32
      %dma_wait3A_141 = arith.constant 0 : i32
      %dma_wait3A_142 = tpu.memref_slice %arg2[%dma_wait3A_140, %dma_wait3A_141] : memref<20000x64xf32, #tpu.memory_space<hbm>> -> memref<20000x64xf32, #tpu.memory_space<hbm>>
      tpu.wait_indirect_dma semaphore(%arg13 : memref<!tpu.dma_semaphore, #tpu.memory_space<semaphore_mem>>) src(%dma_wait3A_142 : memref<20000x64xf32, #tpu.memory_space<hbm>>) dst(%dma_wait3A_136 : memref<128x64xf32, #tpu.memory_space<vmem>>)
      %dma_start3A_143 = arith.constant 0 : i32
      %dma_start3A_144 = arith.constant 0 : i32
      %dma_start3A_145 = arith.constant 0 : i32
      %dma_start3A_146 = tpu.memref_slice %arg9[%dma_start3A_143, %dma_start3A_144, %dma_start3A_145] : memref<4x128x64xf32, #tpu.memory_space<vmem>> -> memref<1x128x64xf32, #tpu.memory_space<vmem>>
      %dma_start3A_147 = tpu.memref_squeeze %dma_start3A_146 : memref<1x128x64xf32, #tpu.memory_space<vmem>> -> memref<128x64xf32, #tpu.memory_space<vmem>>
      %dma_start3A_148 = arith.constant 0 : i32
      %dma_start3A_149 = tpu.memref_slice %arg8[%add3A_131, %dma_start3A_148] : memref<160x128xi32, #tpu.memory_space<vmem>> -> memref<1x128xi32, #tpu.memory_space<vmem>>
      %dma_start3A_150 = tpu.memref_squeeze %dma_start3A_149 : memref<1x128xi32, #tpu.memory_space<vmem>> -> memref<128xi32, #tpu.memory_space<vmem>>
      %dma_start3A_151 = arith.constant 0 : i32
      %dma_start3A_152 = arith.constant 0 : i32
      %dma_start3A_153 = tpu.memref_slice %arg11[%dma_start3A_151, %dma_start3A_152] : memref<10240x64xf32, #tpu.memory_space<vmem_shared>> -> memref<10240x64xf32, #tpu.memory_space<vmem_shared>>
      tpu.enqueue_indirect_dma source(%dma_start3A_147 : memref<128x64xf32, #tpu.memory_space<vmem>>) target(%dma_start3A_153 : memref<10240x64xf32, #tpu.memory_space<vmem_shared>>) offsets(%dma_start3A_150 : memref<128xi32, #tpu.memory_space<vmem>>) semaphore(%arg17 : memref<!tpu.dma_semaphore, #tpu.memory_space<semaphore_mem>>) {add = true}
      %dma_start3A_154 = arith.constant 0 : i32
      %dma_start3A_155 = tpu.memref_slice %arg8[%add3A_131, %dma_start3A_154] : memref<160x128xi32, #tpu.memory_space<vmem>> -> memref<1x128xi32, #tpu.memory_space<vmem>>
      %dma_start3A_156 = tpu.memref_squeeze %dma_start3A_155 : memref<1x128xi32, #tpu.memory_space<vmem>> -> memref<128xi32, #tpu.memory_space<vmem>>
      %dma_start3A_157 = arith.constant 0 : i32
      %dma_start3A_158 = arith.constant 0 : i32
      %dma_start3A_159 = tpu.memref_slice %arg12[%dma_start3A_157, %dma_start3A_158] : memref<10240x16xf32, #tpu.memory_space<vmem_shared>> -> memref<10240x16xf32, #tpu.memory_space<vmem_shared>>
      tpu.enqueue_indirect_dma source(%arg10 : memref<128x16xf32, #tpu.memory_space<vmem>>) target(%dma_start3A_159 : memref<10240x16xf32, #tpu.memory_space<vmem_shared>>) offsets(%dma_start3A_156 : memref<128xi32, #tpu.memory_space<vmem>>) semaphore(%arg17 : memref<!tpu.dma_semaphore, #tpu.memory_space<semaphore_mem>>) {add = true}
      %ge3A = arith.constant 2 : i32
      %ge3A_160 = arith.cmpi sge, %add3A_131, %ge3A : i32
      %convert_element_type3A = arith.extui %ge3A_160 : i1 to i32
      %cond3A = arith.constant 0 : i32
      %cond3A_161 = arith.cmpi ne, %convert_element_type3A, %cond3A : i32
      scf.if %cond3A_161 {
        %sub3A = arith.constant 2 : i32
        %sub3A_301 = arith.subi %add3A_131, %sub3A : i32
        %dma_wait3A_302 = arith.constant 2 : i32
        %dma_wait3A_303 = arith.constant 0 : i32
        %dma_wait3A_304 = arith.constant 0 : i32
        %dma_wait3A_305 = tpu.memref_slice %arg9[%dma_wait3A_302, %dma_wait3A_303, %dma_wait3A_304] : memref<4x128x64xf32, #tpu.memory_space<vmem>> -> memref<1x128x64xf32, #tpu.memory_space<vmem>>
        %dma_wait3A_306 = tpu.memref_squeeze %dma_wait3A_305 : memref<1x128x64xf32, #tpu.memory_space<vmem>> -> memref<128x64xf32, #tpu.memory_space<vmem>>
        %dma_wait3A_307 = arith.constant 0 : i32
        %dma_wait3A_308 = tpu.memref_slice %arg8[%sub3A_301, %dma_wait3A_307] : memref<160x128xi32, #tpu.memory_space<vmem>> -> memref<1x128xi32, #tpu.memory_space<vmem>>
        %dma_wait3A_309 = tpu.memref_squeeze %dma_wait3A_308 : memref<1x128xi32, #tpu.memory_space<vmem>> -> memref<128xi32, #tpu.memory_space<vmem>>
        %dma_wait3A_310 = arith.constant 0 : i32
        %dma_wait3A_311 = arith.constant 0 : i32
        %dma_wait3A_312 = tpu.memref_slice %arg11[%dma_wait3A_310, %dma_wait3A_311] : memref<10240x64xf32, #tpu.memory_space<vmem_shared>> -> memref<10240x64xf32, #tpu.memory_space<vmem_shared>>
        tpu.wait_indirect_dma semaphore(%arg19 : memref<!tpu.dma_semaphore, #tpu.memory_space<semaphore_mem>>) src(%dma_wait3A_306 : memref<128x64xf32, #tpu.memory_space<vmem>>) dst(%dma_wait3A_312 : memref<10240x64xf32, #tpu.memory_space<vmem_shared>>)
        %dma_wait3A_313 = arith.constant 0 : i32
        %dma_wait3A_314 = tpu.memref_slice %arg8[%sub3A_301, %dma_wait3A_313] : memref<160x128xi32, #tpu.memory_space<vmem>> -> memref<1x128xi32, #tpu.memory_space<vmem>>
        %dma_wait3A_315 = tpu.memref_squeeze %dma_wait3A_314 : memref<1x128xi32, #tpu.memory_space<vmem>> -> memref<128xi32, #tpu.memory_space<vmem>>
        %dma_wait3A_316 = arith.constant 0 : i32
        %dma_wait3A_317 = arith.constant 0 : i32
        %dma_wait3A_318 = tpu.memref_slice %arg12[%dma_wait3A_316, %dma_wait3A_317] : memref<10240x16xf32, #tpu.memory_space<vmem_shared>> -> memref<10240x16xf32, #tpu.memory_space<vmem_shared>>
        tpu.wait_indirect_dma semaphore(%arg19 : memref<!tpu.dma_semaphore, #tpu.memory_space<semaphore_mem>>) src(%arg10 : memref<128x16xf32, #tpu.memory_space<vmem>>) dst(%dma_wait3A_318 : memref<10240x16xf32, #tpu.memory_space<vmem_shared>>)
      } else {
      }
      %add3A_162 = arith.constant 2 : i32
      %add3A_163 = arith.addi %add3A_131, %add3A_162 : i32
      %lt3A = arith.constant 160 : i32
      %lt3A_164 = arith.cmpi slt, %add3A_163, %lt3A : i32
      %convert_element_type3A_165 = arith.extui %lt3A_164 : i1 to i32
      %cond3A_166 = arith.constant 0 : i32
      %cond3A_167 = arith.cmpi ne, %convert_element_type3A_165, %cond3A_166 : i32
      scf.if %cond3A_167 {
        %add3A_301 = arith.constant 2 : i32
        %add3A_302 = arith.addi %add3A_131, %add3A_301 : i32
        %dma_start3A_303 = arith.constant 2 : i32
        %dma_start3A_304 = arith.constant 0 : i32
        %dma_start3A_305 = arith.constant 0 : i32
        %dma_start3A_306 = tpu.memref_slice %arg9[%dma_start3A_303, %dma_start3A_304, %dma_start3A_305] : memref<4x128x64xf32, #tpu.memory_space<vmem>> -> memref<1x128x64xf32, #tpu.memory_space<vmem>>
        %dma_start3A_307 = tpu.memref_squeeze %dma_start3A_306 : memref<1x128x64xf32, #tpu.memory_space<vmem>> -> memref<128x64xf32, #tpu.memory_space<vmem>>
        %dma_start3A_308 = arith.constant 0 : i32
        %dma_start3A_309 = tpu.memref_slice %arg7[%add3A_302, %dma_start3A_308] : memref<160x128xi32, #tpu.memory_space<vmem>> -> memref<1x128xi32, #tpu.memory_space<vmem>>
        %dma_start3A_310 = tpu.memref_squeeze %dma_start3A_309 : memref<1x128xi32, #tpu.memory_space<vmem>> -> memref<128xi32, #tpu.memory_space<vmem>>
        %dma_start3A_311 = arith.constant 0 : i32
        %dma_start3A_312 = arith.constant 0 : i32
        %dma_start3A_313 = tpu.memref_slice %arg2[%dma_start3A_311, %dma_start3A_312] : memref<20000x64xf32, #tpu.memory_space<hbm>> -> memref<20000x64xf32, #tpu.memory_space<hbm>>
        tpu.enqueue_indirect_dma source(%dma_start3A_313 : memref<20000x64xf32, #tpu.memory_space<hbm>>) target(%dma_start3A_307 : memref<128x64xf32, #tpu.memory_space<vmem>>) offsets(%dma_start3A_310 : memref<128xi32, #tpu.memory_space<vmem>>) semaphore(%arg15 : memref<!tpu.dma_semaphore, #tpu.memory_space<semaphore_mem>>)
      } else {
      }
      %mul3A_168 = arith.constant 4 : i32
      %mul3A_169 = arith.muli %scan3A_126, %mul3A_168 : i32
      %add3A_170 = arith.constant 1 : i32
      %add3A_171 = arith.addi %mul3A_169, %add3A_170 : i32
      %dma_wait3A_172 = arith.constant 1 : i32
      %dma_wait3A_173 = arith.constant 0 : i32
      %dma_wait3A_174 = arith.constant 0 : i32
      %dma_wait3A_175 = tpu.memref_slice %arg9[%dma_wait3A_172, %dma_wait3A_173, %dma_wait3A_174] : memref<4x128x64xf32, #tpu.memory_space<vmem>> -> memref<1x128x64xf32, #tpu.memory_space<vmem>>
      %dma_wait3A_176 = tpu.memref_squeeze %dma_wait3A_175 : memref<1x128x64xf32, #tpu.memory_space<vmem>> -> memref<128x64xf32, #tpu.memory_space<vmem>>
      %dma_wait3A_177 = arith.constant 0 : i32
      %dma_wait3A_178 = tpu.memref_slice %arg7[%add3A_171, %dma_wait3A_177] : memref<160x128xi32, #tpu.memory_space<vmem>> -> memref<1x128xi32, #tpu.memory_space<vmem>>
      %dma_wait3A_179 = tpu.memref_squeeze %dma_wait3A_178 : memref<1x128xi32, #tpu.memory_space<vmem>> -> memref<128xi32, #tpu.memory_space<vmem>>
      %dma_wait3A_180 = arith.constant 0 : i32
      %dma_wait3A_181 = arith.constant 0 : i32
      %dma_wait3A_182 = tpu.memref_slice %arg2[%dma_wait3A_180, %dma_wait3A_181] : memref<20000x64xf32, #tpu.memory_space<hbm>> -> memref<20000x64xf32, #tpu.memory_space<hbm>>
      tpu.wait_indirect_dma semaphore(%arg14 : memref<!tpu.dma_semaphore, #tpu.memory_space<semaphore_mem>>) src(%dma_wait3A_182 : memref<20000x64xf32, #tpu.memory_space<hbm>>) dst(%dma_wait3A_176 : memref<128x64xf32, #tpu.memory_space<vmem>>)
      %dma_start3A_183 = arith.constant 1 : i32
      %dma_start3A_184 = arith.constant 0 : i32
      %dma_start3A_185 = arith.constant 0 : i32
      %dma_start3A_186 = tpu.memref_slice %arg9[%dma_start3A_183, %dma_start3A_184, %dma_start3A_185] : memref<4x128x64xf32, #tpu.memory_space<vmem>> -> memref<1x128x64xf32, #tpu.memory_space<vmem>>
      %dma_start3A_187 = tpu.memref_squeeze %dma_start3A_186 : memref<1x128x64xf32, #tpu.memory_space<vmem>> -> memref<128x64xf32, #tpu.memory_space<vmem>>
      %dma_start3A_188 = arith.constant 0 : i32
      %dma_start3A_189 = tpu.memref_slice %arg8[%add3A_171, %dma_start3A_188] : memref<160x128xi32, #tpu.memory_space<vmem>> -> memref<1x128xi32, #tpu.memory_space<vmem>>
      %dma_start3A_190 = tpu.memref_squeeze %dma_start3A_189 : memref<1x128xi32, #tpu.memory_space<vmem>> -> memref<128xi32, #tpu.memory_space<vmem>>
      %dma_start3A_191 = arith.constant 0 : i32
      %dma_start3A_192 = arith.constant 0 : i32
      %dma_start3A_193 = tpu.memref_slice %arg11[%dma_start3A_191, %dma_start3A_192] : memref<10240x64xf32, #tpu.memory_space<vmem_shared>> -> memref<10240x64xf32, #tpu.memory_space<vmem_shared>>
      tpu.enqueue_indirect_dma source(%dma_start3A_187 : memref<128x64xf32, #tpu.memory_space<vmem>>) target(%dma_start3A_193 : memref<10240x64xf32, #tpu.memory_space<vmem_shared>>) offsets(%dma_start3A_190 : memref<128xi32, #tpu.memory_space<vmem>>) semaphore(%arg18 : memref<!tpu.dma_semaphore, #tpu.memory_space<semaphore_mem>>) {add = true}
      %dma_start3A_194 = arith.constant 0 : i32
      %dma_start3A_195 = tpu.memref_slice %arg8[%add3A_171, %dma_start3A_194] : memref<160x128xi32, #tpu.memory_space<vmem>> -> memref<1x128xi32, #tpu.memory_space<vmem>>
      %dma_start3A_196 = tpu.memref_squeeze %dma_start3A_195 : memref<1x128xi32, #tpu.memory_space<vmem>> -> memref<128xi32, #tpu.memory_space<vmem>>
      %dma_start3A_197 = arith.constant 0 : i32
      %dma_start3A_198 = arith.constant 0 : i32
      %dma_start3A_199 = tpu.memref_slice %arg12[%dma_start3A_197, %dma_start3A_198] : memref<10240x16xf32, #tpu.memory_space<vmem_shared>> -> memref<10240x16xf32, #tpu.memory_space<vmem_shared>>
      tpu.enqueue_indirect_dma source(%arg10 : memref<128x16xf32, #tpu.memory_space<vmem>>) target(%dma_start3A_199 : memref<10240x16xf32, #tpu.memory_space<vmem_shared>>) offsets(%dma_start3A_196 : memref<128xi32, #tpu.memory_space<vmem>>) semaphore(%arg18 : memref<!tpu.dma_semaphore, #tpu.memory_space<semaphore_mem>>) {add = true}
      %ge3A_200 = arith.constant 2 : i32
      %ge3A_201 = arith.cmpi sge, %add3A_171, %ge3A_200 : i32
      %convert_element_type3A_202 = arith.extui %ge3A_201 : i1 to i32
      %cond3A_203 = arith.constant 0 : i32
      %cond3A_204 = arith.cmpi ne, %convert_element_type3A_202, %cond3A_203 : i32
      scf.if %cond3A_204 {
        %sub3A = arith.constant 2 : i32
        %sub3A_301 = arith.subi %add3A_171, %sub3A : i32
        %dma_wait3A_302 = arith.constant 3 : i32
        %dma_wait3A_303 = arith.constant 0 : i32
        %dma_wait3A_304 = arith.constant 0 : i32
        %dma_wait3A_305 = tpu.memref_slice %arg9[%dma_wait3A_302, %dma_wait3A_303, %dma_wait3A_304] : memref<4x128x64xf32, #tpu.memory_space<vmem>> -> memref<1x128x64xf32, #tpu.memory_space<vmem>>
        %dma_wait3A_306 = tpu.memref_squeeze %dma_wait3A_305 : memref<1x128x64xf32, #tpu.memory_space<vmem>> -> memref<128x64xf32, #tpu.memory_space<vmem>>
        %dma_wait3A_307 = arith.constant 0 : i32
        %dma_wait3A_308 = tpu.memref_slice %arg8[%sub3A_301, %dma_wait3A_307] : memref<160x128xi32, #tpu.memory_space<vmem>> -> memref<1x128xi32, #tpu.memory_space<vmem>>
        %dma_wait3A_309 = tpu.memref_squeeze %dma_wait3A_308 : memref<1x128xi32, #tpu.memory_space<vmem>> -> memref<128xi32, #tpu.memory_space<vmem>>
        %dma_wait3A_310 = arith.constant 0 : i32
        %dma_wait3A_311 = arith.constant 0 : i32
        %dma_wait3A_312 = tpu.memref_slice %arg11[%dma_wait3A_310, %dma_wait3A_311] : memref<10240x64xf32, #tpu.memory_space<vmem_shared>> -> memref<10240x64xf32, #tpu.memory_space<vmem_shared>>
        tpu.wait_indirect_dma semaphore(%arg20 : memref<!tpu.dma_semaphore, #tpu.memory_space<semaphore_mem>>) src(%dma_wait3A_306 : memref<128x64xf32, #tpu.memory_space<vmem>>) dst(%dma_wait3A_312 : memref<10240x64xf32, #tpu.memory_space<vmem_shared>>)
        %dma_wait3A_313 = arith.constant 0 : i32
        %dma_wait3A_314 = tpu.memref_slice %arg8[%sub3A_301, %dma_wait3A_313] : memref<160x128xi32, #tpu.memory_space<vmem>> -> memref<1x128xi32, #tpu.memory_space<vmem>>
        %dma_wait3A_315 = tpu.memref_squeeze %dma_wait3A_314 : memref<1x128xi32, #tpu.memory_space<vmem>> -> memref<128xi32, #tpu.memory_space<vmem>>
        %dma_wait3A_316 = arith.constant 0 : i32
        %dma_wait3A_317 = arith.constant 0 : i32
        %dma_wait3A_318 = tpu.memref_slice %arg12[%dma_wait3A_316, %dma_wait3A_317] : memref<10240x16xf32, #tpu.memory_space<vmem_shared>> -> memref<10240x16xf32, #tpu.memory_space<vmem_shared>>
        tpu.wait_indirect_dma semaphore(%arg20 : memref<!tpu.dma_semaphore, #tpu.memory_space<semaphore_mem>>) src(%arg10 : memref<128x16xf32, #tpu.memory_space<vmem>>) dst(%dma_wait3A_318 : memref<10240x16xf32, #tpu.memory_space<vmem_shared>>)
      } else {
      }
      %add3A_205 = arith.constant 2 : i32
      %add3A_206 = arith.addi %add3A_171, %add3A_205 : i32
      %lt3A_207 = arith.constant 160 : i32
      %lt3A_208 = arith.cmpi slt, %add3A_206, %lt3A_207 : i32
      %convert_element_type3A_209 = arith.extui %lt3A_208 : i1 to i32
      %cond3A_210 = arith.constant 0 : i32
      %cond3A_211 = arith.cmpi ne, %convert_element_type3A_209, %cond3A_210 : i32
      scf.if %cond3A_211 {
        %add3A_301 = arith.constant 2 : i32
        %add3A_302 = arith.addi %add3A_171, %add3A_301 : i32
        %dma_start3A_303 = arith.constant 3 : i32
        %dma_start3A_304 = arith.constant 0 : i32
        %dma_start3A_305 = arith.constant 0 : i32
        %dma_start3A_306 = tpu.memref_slice %arg9[%dma_start3A_303, %dma_start3A_304, %dma_start3A_305] : memref<4x128x64xf32, #tpu.memory_space<vmem>> -> memref<1x128x64xf32, #tpu.memory_space<vmem>>
        %dma_start3A_307 = tpu.memref_squeeze %dma_start3A_306 : memref<1x128x64xf32, #tpu.memory_space<vmem>> -> memref<128x64xf32, #tpu.memory_space<vmem>>
        %dma_start3A_308 = arith.constant 0 : i32
        %dma_start3A_309 = tpu.memref_slice %arg7[%add3A_302, %dma_start3A_308] : memref<160x128xi32, #tpu.memory_space<vmem>> -> memref<1x128xi32, #tpu.memory_space<vmem>>
        %dma_start3A_310 = tpu.memref_squeeze %dma_start3A_309 : memref<1x128xi32, #tpu.memory_space<vmem>> -> memref<128xi32, #tpu.memory_space<vmem>>
        %dma_start3A_311 = arith.constant 0 : i32
        %dma_start3A_312 = arith.constant 0 : i32
        %dma_start3A_313 = tpu.memref_slice %arg2[%dma_start3A_311, %dma_start3A_312] : memref<20000x64xf32, #tpu.memory_space<hbm>> -> memref<20000x64xf32, #tpu.memory_space<hbm>>
        tpu.enqueue_indirect_dma source(%dma_start3A_313 : memref<20000x64xf32, #tpu.memory_space<hbm>>) target(%dma_start3A_307 : memref<128x64xf32, #tpu.memory_space<vmem>>) offsets(%dma_start3A_310 : memref<128xi32, #tpu.memory_space<vmem>>) semaphore(%arg16 : memref<!tpu.dma_semaphore, #tpu.memory_space<semaphore_mem>>)
      } else {
      }
      %mul3A_212 = arith.constant 4 : i32
      %mul3A_213 = arith.muli %scan3A_126, %mul3A_212 : i32
      %add3A_214 = arith.constant 2 : i32
      %add3A_215 = arith.addi %mul3A_213, %add3A_214 : i32
      %dma_wait3A_216 = arith.constant 2 : i32
      %dma_wait3A_217 = arith.constant 0 : i32
      %dma_wait3A_218 = arith.constant 0 : i32
      %dma_wait3A_219 = tpu.memref_slice %arg9[%dma_wait3A_216, %dma_wait3A_217, %dma_wait3A_218] : memref<4x128x64xf32, #tpu.memory_space<vmem>> -> memref<1x128x64xf32, #tpu.memory_space<vmem>>
      %dma_wait3A_220 = tpu.memref_squeeze %dma_wait3A_219 : memref<1x128x64xf32, #tpu.memory_space<vmem>> -> memref<128x64xf32, #tpu.memory_space<vmem>>
      %dma_wait3A_221 = arith.constant 0 : i32
      %dma_wait3A_222 = tpu.memref_slice %arg7[%add3A_215, %dma_wait3A_221] : memref<160x128xi32, #tpu.memory_space<vmem>> -> memref<1x128xi32, #tpu.memory_space<vmem>>
      %dma_wait3A_223 = tpu.memref_squeeze %dma_wait3A_222 : memref<1x128xi32, #tpu.memory_space<vmem>> -> memref<128xi32, #tpu.memory_space<vmem>>
      %dma_wait3A_224 = arith.constant 0 : i32
      %dma_wait3A_225 = arith.constant 0 : i32
      %dma_wait3A_226 = tpu.memref_slice %arg2[%dma_wait3A_224, %dma_wait3A_225] : memref<20000x64xf32, #tpu.memory_space<hbm>> -> memref<20000x64xf32, #tpu.memory_space<hbm>>
      tpu.wait_indirect_dma semaphore(%arg15 : memref<!tpu.dma_semaphore, #tpu.memory_space<semaphore_mem>>) src(%dma_wait3A_226 : memref<20000x64xf32, #tpu.memory_space<hbm>>) dst(%dma_wait3A_220 : memref<128x64xf32, #tpu.memory_space<vmem>>)
      %dma_start3A_227 = arith.constant 2 : i32
      %dma_start3A_228 = arith.constant 0 : i32
      %dma_start3A_229 = arith.constant 0 : i32
      %dma_start3A_230 = tpu.memref_slice %arg9[%dma_start3A_227, %dma_start3A_228, %dma_start3A_229] : memref<4x128x64xf32, #tpu.memory_space<vmem>> -> memref<1x128x64xf32, #tpu.memory_space<vmem>>
      %dma_start3A_231 = tpu.memref_squeeze %dma_start3A_230 : memref<1x128x64xf32, #tpu.memory_space<vmem>> -> memref<128x64xf32, #tpu.memory_space<vmem>>
      %dma_start3A_232 = arith.constant 0 : i32
      %dma_start3A_233 = tpu.memref_slice %arg8[%add3A_215, %dma_start3A_232] : memref<160x128xi32, #tpu.memory_space<vmem>> -> memref<1x128xi32, #tpu.memory_space<vmem>>
      %dma_start3A_234 = tpu.memref_squeeze %dma_start3A_233 : memref<1x128xi32, #tpu.memory_space<vmem>> -> memref<128xi32, #tpu.memory_space<vmem>>
      %dma_start3A_235 = arith.constant 0 : i32
      %dma_start3A_236 = arith.constant 0 : i32
      %dma_start3A_237 = tpu.memref_slice %arg11[%dma_start3A_235, %dma_start3A_236] : memref<10240x64xf32, #tpu.memory_space<vmem_shared>> -> memref<10240x64xf32, #tpu.memory_space<vmem_shared>>
      tpu.enqueue_indirect_dma source(%dma_start3A_231 : memref<128x64xf32, #tpu.memory_space<vmem>>) target(%dma_start3A_237 : memref<10240x64xf32, #tpu.memory_space<vmem_shared>>) offsets(%dma_start3A_234 : memref<128xi32, #tpu.memory_space<vmem>>) semaphore(%arg19 : memref<!tpu.dma_semaphore, #tpu.memory_space<semaphore_mem>>) {add = true}
      %dma_start3A_238 = arith.constant 0 : i32
      %dma_start3A_239 = tpu.memref_slice %arg8[%add3A_215, %dma_start3A_238] : memref<160x128xi32, #tpu.memory_space<vmem>> -> memref<1x128xi32, #tpu.memory_space<vmem>>
      %dma_start3A_240 = tpu.memref_squeeze %dma_start3A_239 : memref<1x128xi32, #tpu.memory_space<vmem>> -> memref<128xi32, #tpu.memory_space<vmem>>
      %dma_start3A_241 = arith.constant 0 : i32
      %dma_start3A_242 = arith.constant 0 : i32
      %dma_start3A_243 = tpu.memref_slice %arg12[%dma_start3A_241, %dma_start3A_242] : memref<10240x16xf32, #tpu.memory_space<vmem_shared>> -> memref<10240x16xf32, #tpu.memory_space<vmem_shared>>
      tpu.enqueue_indirect_dma source(%arg10 : memref<128x16xf32, #tpu.memory_space<vmem>>) target(%dma_start3A_243 : memref<10240x16xf32, #tpu.memory_space<vmem_shared>>) offsets(%dma_start3A_240 : memref<128xi32, #tpu.memory_space<vmem>>) semaphore(%arg19 : memref<!tpu.dma_semaphore, #tpu.memory_space<semaphore_mem>>) {add = true}
      %ge3A_244 = arith.constant 2 : i32
      %ge3A_245 = arith.cmpi sge, %add3A_215, %ge3A_244 : i32
      %convert_element_type3A_246 = arith.extui %ge3A_245 : i1 to i32
      %cond3A_247 = arith.constant 0 : i32
      %cond3A_248 = arith.cmpi ne, %convert_element_type3A_246, %cond3A_247 : i32
      scf.if %cond3A_248 {
        %sub3A = arith.constant 2 : i32
        %sub3A_301 = arith.subi %add3A_215, %sub3A : i32
        %dma_wait3A_302 = arith.constant 0 : i32
        %dma_wait3A_303 = arith.constant 0 : i32
        %dma_wait3A_304 = arith.constant 0 : i32
        %dma_wait3A_305 = tpu.memref_slice %arg9[%dma_wait3A_302, %dma_wait3A_303, %dma_wait3A_304] : memref<4x128x64xf32, #tpu.memory_space<vmem>> -> memref<1x128x64xf32, #tpu.memory_space<vmem>>
        %dma_wait3A_306 = tpu.memref_squeeze %dma_wait3A_305 : memref<1x128x64xf32, #tpu.memory_space<vmem>> -> memref<128x64xf32, #tpu.memory_space<vmem>>
        %dma_wait3A_307 = arith.constant 0 : i32
        %dma_wait3A_308 = tpu.memref_slice %arg8[%sub3A_301, %dma_wait3A_307] : memref<160x128xi32, #tpu.memory_space<vmem>> -> memref<1x128xi32, #tpu.memory_space<vmem>>
        %dma_wait3A_309 = tpu.memref_squeeze %dma_wait3A_308 : memref<1x128xi32, #tpu.memory_space<vmem>> -> memref<128xi32, #tpu.memory_space<vmem>>
        %dma_wait3A_310 = arith.constant 0 : i32
        %dma_wait3A_311 = arith.constant 0 : i32
        %dma_wait3A_312 = tpu.memref_slice %arg11[%dma_wait3A_310, %dma_wait3A_311] : memref<10240x64xf32, #tpu.memory_space<vmem_shared>> -> memref<10240x64xf32, #tpu.memory_space<vmem_shared>>
        tpu.wait_indirect_dma semaphore(%arg17 : memref<!tpu.dma_semaphore, #tpu.memory_space<semaphore_mem>>) src(%dma_wait3A_306 : memref<128x64xf32, #tpu.memory_space<vmem>>) dst(%dma_wait3A_312 : memref<10240x64xf32, #tpu.memory_space<vmem_shared>>)
        %dma_wait3A_313 = arith.constant 0 : i32
        %dma_wait3A_314 = tpu.memref_slice %arg8[%sub3A_301, %dma_wait3A_313] : memref<160x128xi32, #tpu.memory_space<vmem>> -> memref<1x128xi32, #tpu.memory_space<vmem>>
        %dma_wait3A_315 = tpu.memref_squeeze %dma_wait3A_314 : memref<1x128xi32, #tpu.memory_space<vmem>> -> memref<128xi32, #tpu.memory_space<vmem>>
        %dma_wait3A_316 = arith.constant 0 : i32
        %dma_wait3A_317 = arith.constant 0 : i32
        %dma_wait3A_318 = tpu.memref_slice %arg12[%dma_wait3A_316, %dma_wait3A_317] : memref<10240x16xf32, #tpu.memory_space<vmem_shared>> -> memref<10240x16xf32, #tpu.memory_space<vmem_shared>>
        tpu.wait_indirect_dma semaphore(%arg17 : memref<!tpu.dma_semaphore, #tpu.memory_space<semaphore_mem>>) src(%arg10 : memref<128x16xf32, #tpu.memory_space<vmem>>) dst(%dma_wait3A_318 : memref<10240x16xf32, #tpu.memory_space<vmem_shared>>)
      } else {
      }
      %add3A_249 = arith.constant 2 : i32
      %add3A_250 = arith.addi %add3A_215, %add3A_249 : i32
      %lt3A_251 = arith.constant 160 : i32
      %lt3A_252 = arith.cmpi slt, %add3A_250, %lt3A_251 : i32
      %convert_element_type3A_253 = arith.extui %lt3A_252 : i1 to i32
      %cond3A_254 = arith.constant 0 : i32
      %cond3A_255 = arith.cmpi ne, %convert_element_type3A_253, %cond3A_254 : i32
      scf.if %cond3A_255 {
        %add3A_301 = arith.constant 2 : i32
        %add3A_302 = arith.addi %add3A_215, %add3A_301 : i32
        %dma_start3A_303 = arith.constant 0 : i32
        %dma_start3A_304 = arith.constant 0 : i32
        %dma_start3A_305 = arith.constant 0 : i32
        %dma_start3A_306 = tpu.memref_slice %arg9[%dma_start3A_303, %dma_start3A_304, %dma_start3A_305] : memref<4x128x64xf32, #tpu.memory_space<vmem>> -> memref<1x128x64xf32, #tpu.memory_space<vmem>>
        %dma_start3A_307 = tpu.memref_squeeze %dma_start3A_306 : memref<1x128x64xf32, #tpu.memory_space<vmem>> -> memref<128x64xf32, #tpu.memory_space<vmem>>
        %dma_start3A_308 = arith.constant 0 : i32
        %dma_start3A_309 = tpu.memref_slice %arg7[%add3A_302, %dma_start3A_308] : memref<160x128xi32, #tpu.memory_space<vmem>> -> memref<1x128xi32, #tpu.memory_space<vmem>>
        %dma_start3A_310 = tpu.memref_squeeze %dma_start3A_309 : memref<1x128xi32, #tpu.memory_space<vmem>> -> memref<128xi32, #tpu.memory_space<vmem>>
        %dma_start3A_311 = arith.constant 0 : i32
        %dma_start3A_312 = arith.constant 0 : i32
        %dma_start3A_313 = tpu.memref_slice %arg2[%dma_start3A_311, %dma_start3A_312] : memref<20000x64xf32, #tpu.memory_space<hbm>> -> memref<20000x64xf32, #tpu.memory_space<hbm>>
        tpu.enqueue_indirect_dma source(%dma_start3A_313 : memref<20000x64xf32, #tpu.memory_space<hbm>>) target(%dma_start3A_307 : memref<128x64xf32, #tpu.memory_space<vmem>>) offsets(%dma_start3A_310 : memref<128xi32, #tpu.memory_space<vmem>>) semaphore(%arg13 : memref<!tpu.dma_semaphore, #tpu.memory_space<semaphore_mem>>)
      } else {
      }
      %mul3A_256 = arith.constant 4 : i32
      %mul3A_257 = arith.muli %scan3A_126, %mul3A_256 : i32
      %add3A_258 = arith.constant 3 : i32
      %add3A_259 = arith.addi %mul3A_257, %add3A_258 : i32
      %dma_wait3A_260 = arith.constant 3 : i32
      %dma_wait3A_261 = arith.constant 0 : i32
      %dma_wait3A_262 = arith.constant 0 : i32
      %dma_wait3A_263 = tpu.memref_slice %arg9[%dma_wait3A_260, %dma_wait3A_261, %dma_wait3A_262] : memref<4x128x64xf32, #tpu.memory_space<vmem>> -> memref<1x128x64xf32, #tpu.memory_space<vmem>>
      %dma_wait3A_264 = tpu.memref_squeeze %dma_wait3A_263 : memref<1x128x64xf32, #tpu.memory_space<vmem>> -> memref<128x64xf32, #tpu.memory_space<vmem>>
      %dma_wait3A_265 = arith.constant 0 : i32
      %dma_wait3A_266 = tpu.memref_slice %arg7[%add3A_259, %dma_wait3A_265] : memref<160x128xi32, #tpu.memory_space<vmem>> -> memref<1x128xi32, #tpu.memory_space<vmem>>
      %dma_wait3A_267 = tpu.memref_squeeze %dma_wait3A_266 : memref<1x128xi32, #tpu.memory_space<vmem>> -> memref<128xi32, #tpu.memory_space<vmem>>
      %dma_wait3A_268 = arith.constant 0 : i32
      %dma_wait3A_269 = arith.constant 0 : i32
      %dma_wait3A_270 = tpu.memref_slice %arg2[%dma_wait3A_268, %dma_wait3A_269] : memref<20000x64xf32, #tpu.memory_space<hbm>> -> memref<20000x64xf32, #tpu.memory_space<hbm>>
      tpu.wait_indirect_dma semaphore(%arg16 : memref<!tpu.dma_semaphore, #tpu.memory_space<semaphore_mem>>) src(%dma_wait3A_270 : memref<20000x64xf32, #tpu.memory_space<hbm>>) dst(%dma_wait3A_264 : memref<128x64xf32, #tpu.memory_space<vmem>>)
      %dma_start3A_271 = arith.constant 3 : i32
      %dma_start3A_272 = arith.constant 0 : i32
      %dma_start3A_273 = arith.constant 0 : i32
      %dma_start3A_274 = tpu.memref_slice %arg9[%dma_start3A_271, %dma_start3A_272, %dma_start3A_273] : memref<4x128x64xf32, #tpu.memory_space<vmem>> -> memref<1x128x64xf32, #tpu.memory_space<vmem>>
      %dma_start3A_275 = tpu.memref_squeeze %dma_start3A_274 : memref<1x128x64xf32, #tpu.memory_space<vmem>> -> memref<128x64xf32, #tpu.memory_space<vmem>>
      %dma_start3A_276 = arith.constant 0 : i32
      %dma_start3A_277 = tpu.memref_slice %arg8[%add3A_259, %dma_start3A_276] : memref<160x128xi32, #tpu.memory_space<vmem>> -> memref<1x128xi32, #tpu.memory_space<vmem>>
      %dma_start3A_278 = tpu.memref_squeeze %dma_start3A_277 : memref<1x128xi32, #tpu.memory_space<vmem>> -> memref<128xi32, #tpu.memory_space<vmem>>
      %dma_start3A_279 = arith.constant 0 : i32
      %dma_start3A_280 = arith.constant 0 : i32
      %dma_start3A_281 = tpu.memref_slice %arg11[%dma_start3A_279, %dma_start3A_280] : memref<10240x64xf32, #tpu.memory_space<vmem_shared>> -> memref<10240x64xf32, #tpu.memory_space<vmem_shared>>
      tpu.enqueue_indirect_dma source(%dma_start3A_275 : memref<128x64xf32, #tpu.memory_space<vmem>>) target(%dma_start3A_281 : memref<10240x64xf32, #tpu.memory_space<vmem_shared>>) offsets(%dma_start3A_278 : memref<128xi32, #tpu.memory_space<vmem>>) semaphore(%arg20 : memref<!tpu.dma_semaphore, #tpu.memory_space<semaphore_mem>>) {add = true}
      %dma_start3A_282 = arith.constant 0 : i32
      %dma_start3A_283 = tpu.memref_slice %arg8[%add3A_259, %dma_start3A_282] : memref<160x128xi32, #tpu.memory_space<vmem>> -> memref<1x128xi32, #tpu.memory_space<vmem>>
      %dma_start3A_284 = tpu.memref_squeeze %dma_start3A_283 : memref<1x128xi32, #tpu.memory_space<vmem>> -> memref<128xi32, #tpu.memory_space<vmem>>
      %dma_start3A_285 = arith.constant 0 : i32
      %dma_start3A_286 = arith.constant 0 : i32
      %dma_start3A_287 = tpu.memref_slice %arg12[%dma_start3A_285, %dma_start3A_286] : memref<10240x16xf32, #tpu.memory_space<vmem_shared>> -> memref<10240x16xf32, #tpu.memory_space<vmem_shared>>
      tpu.enqueue_indirect_dma source(%arg10 : memref<128x16xf32, #tpu.memory_space<vmem>>) target(%dma_start3A_287 : memref<10240x16xf32, #tpu.memory_space<vmem_shared>>) offsets(%dma_start3A_284 : memref<128xi32, #tpu.memory_space<vmem>>) semaphore(%arg20 : memref<!tpu.dma_semaphore, #tpu.memory_space<semaphore_mem>>) {add = true}
      %ge3A_288 = arith.constant 2 : i32
      %ge3A_289 = arith.cmpi sge, %add3A_259, %ge3A_288 : i32
      %convert_element_type3A_290 = arith.extui %ge3A_289 : i1 to i32
      %cond3A_291 = arith.constant 0 : i32
      %cond3A_292 = arith.cmpi ne, %convert_element_type3A_290, %cond3A_291 : i32
      scf.if %cond3A_292 {
        %sub3A = arith.constant 2 : i32
        %sub3A_301 = arith.subi %add3A_259, %sub3A : i32
        %dma_wait3A_302 = arith.constant 1 : i32
        %dma_wait3A_303 = arith.constant 0 : i32
        %dma_wait3A_304 = arith.constant 0 : i32
        %dma_wait3A_305 = tpu.memref_slice %arg9[%dma_wait3A_302, %dma_wait3A_303, %dma_wait3A_304] : memref<4x128x64xf32, #tpu.memory_space<vmem>> -> memref<1x128x64xf32, #tpu.memory_space<vmem>>
        %dma_wait3A_306 = tpu.memref_squeeze %dma_wait3A_305 : memref<1x128x64xf32, #tpu.memory_space<vmem>> -> memref<128x64xf32, #tpu.memory_space<vmem>>
        %dma_wait3A_307 = arith.constant 0 : i32
        %dma_wait3A_308 = tpu.memref_slice %arg8[%sub3A_301, %dma_wait3A_307] : memref<160x128xi32, #tpu.memory_space<vmem>> -> memref<1x128xi32, #tpu.memory_space<vmem>>
        %dma_wait3A_309 = tpu.memref_squeeze %dma_wait3A_308 : memref<1x128xi32, #tpu.memory_space<vmem>> -> memref<128xi32, #tpu.memory_space<vmem>>
        %dma_wait3A_310 = arith.constant 0 : i32
        %dma_wait3A_311 = arith.constant 0 : i32
        %dma_wait3A_312 = tpu.memref_slice %arg11[%dma_wait3A_310, %dma_wait3A_311] : memref<10240x64xf32, #tpu.memory_space<vmem_shared>> -> memref<10240x64xf32, #tpu.memory_space<vmem_shared>>
        tpu.wait_indirect_dma semaphore(%arg18 : memref<!tpu.dma_semaphore, #tpu.memory_space<semaphore_mem>>) src(%dma_wait3A_306 : memref<128x64xf32, #tpu.memory_space<vmem>>) dst(%dma_wait3A_312 : memref<10240x64xf32, #tpu.memory_space<vmem_shared>>)
        %dma_wait3A_313 = arith.constant 0 : i32
        %dma_wait3A_314 = tpu.memref_slice %arg8[%sub3A_301, %dma_wait3A_313] : memref<160x128xi32, #tpu.memory_space<vmem>> -> memref<1x128xi32, #tpu.memory_space<vmem>>
        %dma_wait3A_315 = tpu.memref_squeeze %dma_wait3A_314 : memref<1x128xi32, #tpu.memory_space<vmem>> -> memref<128xi32, #tpu.memory_space<vmem>>
        %dma_wait3A_316 = arith.constant 0 : i32
        %dma_wait3A_317 = arith.constant 0 : i32
        %dma_wait3A_318 = tpu.memref_slice %arg12[%dma_wait3A_316, %dma_wait3A_317] : memref<10240x16xf32, #tpu.memory_space<vmem_shared>> -> memref<10240x16xf32, #tpu.memory_space<vmem_shared>>
        tpu.wait_indirect_dma semaphore(%arg18 : memref<!tpu.dma_semaphore, #tpu.memory_space<semaphore_mem>>) src(%arg10 : memref<128x16xf32, #tpu.memory_space<vmem>>) dst(%dma_wait3A_318 : memref<10240x16xf32, #tpu.memory_space<vmem_shared>>)
      } else {
      }
      %add3A_293 = arith.constant 2 : i32
      %add3A_294 = arith.addi %add3A_259, %add3A_293 : i32
      %lt3A_295 = arith.constant 160 : i32
      %lt3A_296 = arith.cmpi slt, %add3A_294, %lt3A_295 : i32
      %convert_element_type3A_297 = arith.extui %lt3A_296 : i1 to i32
      %cond3A_298 = arith.constant 0 : i32
      %cond3A_299 = arith.cmpi ne, %convert_element_type3A_297, %cond3A_298 : i32
      scf.if %cond3A_299 {
        %add3A_301 = arith.constant 2 : i32
        %add3A_302 = arith.addi %add3A_259, %add3A_301 : i32
        %dma_start3A_303 = arith.constant 1 : i32
        %dma_start3A_304 = arith.constant 0 : i32
        %dma_start3A_305 = arith.constant 0 : i32
        %dma_start3A_306 = tpu.memref_slice %arg9[%dma_start3A_303, %dma_start3A_304, %dma_start3A_305] : memref<4x128x64xf32, #tpu.memory_space<vmem>> -> memref<1x128x64xf32, #tpu.memory_space<vmem>>
        %dma_start3A_307 = tpu.memref_squeeze %dma_start3A_306 : memref<1x128x64xf32, #tpu.memory_space<vmem>> -> memref<128x64xf32, #tpu.memory_space<vmem>>
        %dma_start3A_308 = arith.constant 0 : i32
        %dma_start3A_309 = tpu.memref_slice %arg7[%add3A_302, %dma_start3A_308] : memref<160x128xi32, #tpu.memory_space<vmem>> -> memref<1x128xi32, #tpu.memory_space<vmem>>
        %dma_start3A_310 = tpu.memref_squeeze %dma_start3A_309 : memref<1x128xi32, #tpu.memory_space<vmem>> -> memref<128xi32, #tpu.memory_space<vmem>>
        %dma_start3A_311 = arith.constant 0 : i32
        %dma_start3A_312 = arith.constant 0 : i32
        %dma_start3A_313 = tpu.memref_slice %arg2[%dma_start3A_311, %dma_start3A_312] : memref<20000x64xf32, #tpu.memory_space<hbm>> -> memref<20000x64xf32, #tpu.memory_space<hbm>>
        tpu.enqueue_indirect_dma source(%dma_start3A_313 : memref<20000x64xf32, #tpu.memory_space<hbm>>) target(%dma_start3A_307 : memref<128x64xf32, #tpu.memory_space<vmem>>) offsets(%dma_start3A_310 : memref<128xi32, #tpu.memory_space<vmem>>) semaphore(%arg14 : memref<!tpu.dma_semaphore, #tpu.memory_space<semaphore_mem>>)
      } else {
      }
      %scan3A_300 = arith.constant 0 : i32
      scf.yield %scan3A_300 : i32
    }
    %scan3A_67 = arith.constant 40 : i32
    %dma_wait3A = arith.constant 2 : i32
    %dma_wait3A_68 = arith.constant 158 : i32
    %dma_wait3A_69 = arith.constant 0 : i32
    %dma_wait3A_70 = arith.constant 0 : i32
    %dma_wait3A_71 = tpu.memref_slice %arg9[%dma_wait3A, %dma_wait3A_69, %dma_wait3A_70] : memref<4x128x64xf32, #tpu.memory_space<vmem>> -> memref<1x128x64xf32, #tpu.memory_space<vmem>>
    %dma_wait3A_72 = tpu.memref_squeeze %dma_wait3A_71 : memref<1x128x64xf32, #tpu.memory_space<vmem>> -> memref<128x64xf32, #tpu.memory_space<vmem>>
    %dma_wait3A_73 = arith.constant 0 : i32
    %dma_wait3A_74 = tpu.memref_slice %arg8[%dma_wait3A_68, %dma_wait3A_73] : memref<160x128xi32, #tpu.memory_space<vmem>> -> memref<1x128xi32, #tpu.memory_space<vmem>>
    %dma_wait3A_75 = tpu.memref_squeeze %dma_wait3A_74 : memref<1x128xi32, #tpu.memory_space<vmem>> -> memref<128xi32, #tpu.memory_space<vmem>>
    %dma_wait3A_76 = arith.constant 0 : i32
    %dma_wait3A_77 = arith.constant 0 : i32
    %dma_wait3A_78 = tpu.memref_slice %arg11[%dma_wait3A_76, %dma_wait3A_77] : memref<10240x64xf32, #tpu.memory_space<vmem_shared>> -> memref<10240x64xf32, #tpu.memory_space<vmem_shared>>
    tpu.wait_indirect_dma semaphore(%arg19 : memref<!tpu.dma_semaphore, #tpu.memory_space<semaphore_mem>>) src(%dma_wait3A_72 : memref<128x64xf32, #tpu.memory_space<vmem>>) dst(%dma_wait3A_78 : memref<10240x64xf32, #tpu.memory_space<vmem_shared>>)
    %dma_wait3A_79 = arith.constant 158 : i32
    %dma_wait3A_80 = arith.constant 0 : i32
    %dma_wait3A_81 = tpu.memref_slice %arg8[%dma_wait3A_79, %dma_wait3A_80] : memref<160x128xi32, #tpu.memory_space<vmem>> -> memref<1x128xi32, #tpu.memory_space<vmem>>
    %dma_wait3A_82 = tpu.memref_squeeze %dma_wait3A_81 : memref<1x128xi32, #tpu.memory_space<vmem>> -> memref<128xi32, #tpu.memory_space<vmem>>
    %dma_wait3A_83 = arith.constant 0 : i32
    %dma_wait3A_84 = arith.constant 0 : i32
    %dma_wait3A_85 = tpu.memref_slice %arg12[%dma_wait3A_83, %dma_wait3A_84] : memref<10240x16xf32, #tpu.memory_space<vmem_shared>> -> memref<10240x16xf32, #tpu.memory_space<vmem_shared>>
    tpu.wait_indirect_dma semaphore(%arg19 : memref<!tpu.dma_semaphore, #tpu.memory_space<semaphore_mem>>) src(%arg10 : memref<128x16xf32, #tpu.memory_space<vmem>>) dst(%dma_wait3A_85 : memref<10240x16xf32, #tpu.memory_space<vmem_shared>>)
    %dma_wait3A_86 = arith.constant 3 : i32
    %dma_wait3A_87 = arith.constant 159 : i32
    %dma_wait3A_88 = arith.constant 0 : i32
    %dma_wait3A_89 = arith.constant 0 : i32
    %dma_wait3A_90 = tpu.memref_slice %arg9[%dma_wait3A_86, %dma_wait3A_88, %dma_wait3A_89] : memref<4x128x64xf32, #tpu.memory_space<vmem>> -> memref<1x128x64xf32, #tpu.memory_space<vmem>>
    %dma_wait3A_91 = tpu.memref_squeeze %dma_wait3A_90 : memref<1x128x64xf32, #tpu.memory_space<vmem>> -> memref<128x64xf32, #tpu.memory_space<vmem>>
    %dma_wait3A_92 = arith.constant 0 : i32
    %dma_wait3A_93 = tpu.memref_slice %arg8[%dma_wait3A_87, %dma_wait3A_92] : memref<160x128xi32, #tpu.memory_space<vmem>> -> memref<1x128xi32, #tpu.memory_space<vmem>>
    %dma_wait3A_94 = tpu.memref_squeeze %dma_wait3A_93 : memref<1x128xi32, #tpu.memory_space<vmem>> -> memref<128xi32, #tpu.memory_space<vmem>>
    %dma_wait3A_95 = arith.constant 0 : i32
    %dma_wait3A_96 = arith.constant 0 : i32
    %dma_wait3A_97 = tpu.memref_slice %arg11[%dma_wait3A_95, %dma_wait3A_96] : memref<10240x64xf32, #tpu.memory_space<vmem_shared>> -> memref<10240x64xf32, #tpu.memory_space<vmem_shared>>
    tpu.wait_indirect_dma semaphore(%arg20 : memref<!tpu.dma_semaphore, #tpu.memory_space<semaphore_mem>>) src(%dma_wait3A_91 : memref<128x64xf32, #tpu.memory_space<vmem>>) dst(%dma_wait3A_97 : memref<10240x64xf32, #tpu.memory_space<vmem_shared>>)
    %dma_wait3A_98 = arith.constant 159 : i32
    %dma_wait3A_99 = arith.constant 0 : i32
    %dma_wait3A_100 = tpu.memref_slice %arg8[%dma_wait3A_98, %dma_wait3A_99] : memref<160x128xi32, #tpu.memory_space<vmem>> -> memref<1x128xi32, #tpu.memory_space<vmem>>
    %dma_wait3A_101 = tpu.memref_squeeze %dma_wait3A_100 : memref<1x128xi32, #tpu.memory_space<vmem>> -> memref<128xi32, #tpu.memory_space<vmem>>
    %dma_wait3A_102 = arith.constant 0 : i32
    %dma_wait3A_103 = arith.constant 0 : i32
    %dma_wait3A_104 = tpu.memref_slice %arg12[%dma_wait3A_102, %dma_wait3A_103] : memref<10240x16xf32, #tpu.memory_space<vmem_shared>> -> memref<10240x16xf32, #tpu.memory_space<vmem_shared>>
    tpu.wait_indirect_dma semaphore(%arg20 : memref<!tpu.dma_semaphore, #tpu.memory_space<semaphore_mem>>) src(%arg10 : memref<128x16xf32, #tpu.memory_space<vmem>>) dst(%dma_wait3A_104 : memref<10240x16xf32, #tpu.memory_space<vmem_shared>>)
    %barrier3A_105 = arith.constant 0 : index
    tpu.barrier barrier_id(%barrier3A_105)
    %mul3A_106 = arith.constant 640 : i32
    %mul3A_107 = arith.muli %arg1, %mul3A_106 : i32
    %add3A_108 = arith.constant 0 : i32
    %add3A_109 = arith.addi %mul3A_107, %add3A_108 : i32
    "tpu.region"() ({
      %run_scoped3A_126 = tpu.sem_alloc : memref<!tpu.dma_semaphore, #tpu.memory_space<semaphore_mem>>
      %dma_start3A_127 = arith.constant 0 : i32
      %dma_start3A_128 = tpu.memref_slice %arg5[%arg0, %add3A_109, %dma_start3A_127] : memref<2x10240x64xf32, #tpu.memory_space<hbm>> -> memref<1x128x64xf32, #tpu.memory_space<hbm>>
      %dma_start3A_129 = tpu.memref_squeeze %dma_start3A_128 : memref<1x128x64xf32, #tpu.memory_space<hbm>> -> memref<128x64xf32, #tpu.memory_space<hbm>>
      %dma_start3A_130 = arith.constant 0 : i32
      %dma_start3A_131 = tpu.memref_slice %arg11[%add3A_109, %dma_start3A_130] : memref<10240x64xf32, #tpu.memory_space<vmem_shared>> -> memref<128x64xf32, #tpu.memory_space<vmem_shared>>
      tpu.enqueue_dma source(%dma_start3A_131 : memref<128x64xf32, #tpu.memory_space<vmem_shared>>) target(%dma_start3A_129 : memref<128x64xf32, #tpu.memory_space<hbm>>) target_semaphore(%run_scoped3A_126 : memref<!tpu.dma_semaphore, #tpu.memory_space<semaphore_mem>>)
      %dma_wait3A_132 = arith.constant 0 : i32
      %dma_wait3A_133 = tpu.memref_slice %arg5[%arg0, %add3A_109, %dma_wait3A_132] : memref<2x10240x64xf32, #tpu.memory_space<hbm>> -> memref<1x128x64xf32, #tpu.memory_space<hbm>>
      %dma_wait3A_134 = tpu.memref_squeeze %dma_wait3A_133 : memref<1x128x64xf32, #tpu.memory_space<hbm>> -> memref<128x64xf32, #tpu.memory_space<hbm>>
      %dma_wait3A_135 = arith.constant 0 : i32
      %dma_wait3A_136 = tpu.memref_slice %arg11[%add3A_109, %dma_wait3A_135] : memref<10240x64xf32, #tpu.memory_space<vmem_shared>> -> memref<128x64xf32, #tpu.memory_space<vmem_shared>>
      tpu.wait_dma2 semaphore(%run_scoped3A_126 : memref<!tpu.dma_semaphore, #tpu.memory_space<semaphore_mem>>) src(%dma_wait3A_136 : memref<128x64xf32, #tpu.memory_space<vmem_shared>>) dst(%dma_wait3A_134 : memref<128x64xf32, #tpu.memory_space<hbm>>)
      tpu.yield
    }) : () -> ()
    "tpu.region"() ({
      %run_scoped3A_126 = tpu.sem_alloc : memref<!tpu.dma_semaphore, #tpu.memory_space<semaphore_mem>>
      %dma_start3A_127 = arith.constant 0 : i32
      %dma_start3A_128 = tpu.memref_slice %arg6[%arg0, %add3A_109, %dma_start3A_127] : memref<2x10240x16xf32, #tpu.memory_space<hbm>> -> memref<1x128x16xf32, #tpu.memory_space<hbm>>
      %dma_start3A_129 = tpu.memref_squeeze %dma_start3A_128 : memref<1x128x16xf32, #tpu.memory_space<hbm>> -> memref<128x16xf32, #tpu.memory_space<hbm>>
      %dma_start3A_130 = arith.constant 0 : i32
      %dma_start3A_131 = tpu.memref_slice %arg12[%add3A_109, %dma_start3A_130] : memref<10240x16xf32, #tpu.memory_space<vmem_shared>> -> memref<128x16xf32, #tpu.memory_space<vmem_shared>>
      tpu.enqueue_dma source(%dma_start3A_131 : memref<128x16xf32, #tpu.memory_space<vmem_shared>>) target(%dma_start3A_129 : memref<128x16xf32, #tpu.memory_space<hbm>>) target_semaphore(%run_scoped3A_126 : memref<!tpu.dma_semaphore, #tpu.memory_space<semaphore_mem>>)
      %dma_wait3A_132 = arith.constant 0 : i32
      %dma_wait3A_133 = tpu.memref_slice %arg6[%arg0, %add3A_109, %dma_wait3A_132] : memref<2x10240x16xf32, #tpu.memory_space<hbm>> -> memref<1x128x16xf32, #tpu.memory_space<hbm>>
      %dma_wait3A_134 = tpu.memref_squeeze %dma_wait3A_133 : memref<1x128x16xf32, #tpu.memory_space<hbm>> -> memref<128x16xf32, #tpu.memory_space<hbm>>
      %dma_wait3A_135 = arith.constant 0 : i32
      %dma_wait3A_136 = tpu.memref_slice %arg12[%add3A_109, %dma_wait3A_135] : memref<10240x16xf32, #tpu.memory_space<vmem_shared>> -> memref<128x16xf32, #tpu.memory_space<vmem_shared>>
      tpu.wait_dma2 semaphore(%run_scoped3A_126 : memref<!tpu.dma_semaphore, #tpu.memory_space<semaphore_mem>>) src(%dma_wait3A_136 : memref<128x16xf32, #tpu.memory_space<vmem_shared>>) dst(%dma_wait3A_134 : memref<128x16xf32, #tpu.memory_space<hbm>>)
      tpu.yield
    }) : () -> ()
    %mul3A_110 = arith.constant 640 : i32
    %mul3A_111 = arith.muli %arg1, %mul3A_110 : i32
    %add3A_112 = arith.constant 128 : i32
    %add3A_113 = arith.addi %mul3A_111, %add3A_112 : i32
    "tpu.region"() ({
      %run_scoped3A_126 = tpu.sem_alloc : memref<!tpu.dma_semaphore, #tpu.memory_space<semaphore_mem>>
      %dma_start3A_127 = arith.constant 0 : i32
      %dma_start3A_128 = tpu.memref_slice %arg5[%arg0, %add3A_113, %dma_start3A_127] : memref<2x10240x64xf32, #tpu.memory_space<hbm>> -> memref<1x128x64xf32, #tpu.memory_space<hbm>>
      %dma_start3A_129 = tpu.memref_squeeze %dma_start3A_128 : memref<1x128x64xf32, #tpu.memory_space<hbm>> -> memref<128x64xf32, #tpu.memory_space<hbm>>
      %dma_start3A_130 = arith.constant 0 : i32
      %dma_start3A_131 = tpu.memref_slice %arg11[%add3A_113, %dma_start3A_130] : memref<10240x64xf32, #tpu.memory_space<vmem_shared>> -> memref<128x64xf32, #tpu.memory_space<vmem_shared>>
      tpu.enqueue_dma source(%dma_start3A_131 : memref<128x64xf32, #tpu.memory_space<vmem_shared>>) target(%dma_start3A_129 : memref<128x64xf32, #tpu.memory_space<hbm>>) target_semaphore(%run_scoped3A_126 : memref<!tpu.dma_semaphore, #tpu.memory_space<semaphore_mem>>)
      %dma_wait3A_132 = arith.constant 0 : i32
      %dma_wait3A_133 = tpu.memref_slice %arg5[%arg0, %add3A_113, %dma_wait3A_132] : memref<2x10240x64xf32, #tpu.memory_space<hbm>> -> memref<1x128x64xf32, #tpu.memory_space<hbm>>
      %dma_wait3A_134 = tpu.memref_squeeze %dma_wait3A_133 : memref<1x128x64xf32, #tpu.memory_space<hbm>> -> memref<128x64xf32, #tpu.memory_space<hbm>>
      %dma_wait3A_135 = arith.constant 0 : i32
      %dma_wait3A_136 = tpu.memref_slice %arg11[%add3A_113, %dma_wait3A_135] : memref<10240x64xf32, #tpu.memory_space<vmem_shared>> -> memref<128x64xf32, #tpu.memory_space<vmem_shared>>
      tpu.wait_dma2 semaphore(%run_scoped3A_126 : memref<!tpu.dma_semaphore, #tpu.memory_space<semaphore_mem>>) src(%dma_wait3A_136 : memref<128x64xf32, #tpu.memory_space<vmem_shared>>) dst(%dma_wait3A_134 : memref<128x64xf32, #tpu.memory_space<hbm>>)
      tpu.yield
    }) : () -> ()
    "tpu.region"() ({
      %run_scoped3A_126 = tpu.sem_alloc : memref<!tpu.dma_semaphore, #tpu.memory_space<semaphore_mem>>
      %dma_start3A_127 = arith.constant 0 : i32
      %dma_start3A_128 = tpu.memref_slice %arg6[%arg0, %add3A_113, %dma_start3A_127] : memref<2x10240x16xf32, #tpu.memory_space<hbm>> -> memref<1x128x16xf32, #tpu.memory_space<hbm>>
      %dma_start3A_129 = tpu.memref_squeeze %dma_start3A_128 : memref<1x128x16xf32, #tpu.memory_space<hbm>> -> memref<128x16xf32, #tpu.memory_space<hbm>>
      %dma_start3A_130 = arith.constant 0 : i32
      %dma_start3A_131 = tpu.memref_slice %arg12[%add3A_113, %dma_start3A_130] : memref<10240x16xf32, #tpu.memory_space<vmem_shared>> -> memref<128x16xf32, #tpu.memory_space<vmem_shared>>
      tpu.enqueue_dma source(%dma_start3A_131 : memref<128x16xf32, #tpu.memory_space<vmem_shared>>) target(%dma_start3A_129 : memref<128x16xf32, #tpu.memory_space<hbm>>) target_semaphore(%run_scoped3A_126 : memref<!tpu.dma_semaphore, #tpu.memory_space<semaphore_mem>>)
      %dma_wait3A_132 = arith.constant 0 : i32
      %dma_wait3A_133 = tpu.memref_slice %arg6[%arg0, %add3A_113, %dma_wait3A_132] : memref<2x10240x16xf32, #tpu.memory_space<hbm>> -> memref<1x128x16xf32, #tpu.memory_space<hbm>>
      %dma_wait3A_134 = tpu.memref_squeeze %dma_wait3A_133 : memref<1x128x16xf32, #tpu.memory_space<hbm>> -> memref<128x16xf32, #tpu.memory_space<hbm>>
      %dma_wait3A_135 = arith.constant 0 : i32
      %dma_wait3A_136 = tpu.memref_slice %arg12[%add3A_113, %dma_wait3A_135] : memref<10240x16xf32, #tpu.memory_space<vmem_shared>> -> memref<128x16xf32, #tpu.memory_space<vmem_shared>>
      tpu.wait_dma2 semaphore(%run_scoped3A_126 : memref<!tpu.dma_semaphore, #tpu.memory_space<semaphore_mem>>) src(%dma_wait3A_136 : memref<128x16xf32, #tpu.memory_space<vmem_shared>>) dst(%dma_wait3A_134 : memref<128x16xf32, #tpu.memory_space<hbm>>)
      tpu.yield
    }) : () -> ()
    %mul3A_114 = arith.constant 640 : i32
    %mul3A_115 = arith.muli %arg1, %mul3A_114 : i32
    %add3A_116 = arith.constant 256 : i32
    %add3A_117 = arith.addi %mul3A_115, %add3A_116 : i32
    "tpu.region"() ({
      %run_scoped3A_126 = tpu.sem_alloc : memref<!tpu.dma_semaphore, #tpu.memory_space<semaphore_mem>>
      %dma_start3A_127 = arith.constant 0 : i32
      %dma_start3A_128 = tpu.memref_slice %arg5[%arg0, %add3A_117, %dma_start3A_127] : memref<2x10240x64xf32, #tpu.memory_space<hbm>> -> memref<1x128x64xf32, #tpu.memory_space<hbm>>
      %dma_start3A_129 = tpu.memref_squeeze %dma_start3A_128 : memref<1x128x64xf32, #tpu.memory_space<hbm>> -> memref<128x64xf32, #tpu.memory_space<hbm>>
      %dma_start3A_130 = arith.constant 0 : i32
      %dma_start3A_131 = tpu.memref_slice %arg11[%add3A_117, %dma_start3A_130] : memref<10240x64xf32, #tpu.memory_space<vmem_shared>> -> memref<128x64xf32, #tpu.memory_space<vmem_shared>>
      tpu.enqueue_dma source(%dma_start3A_131 : memref<128x64xf32, #tpu.memory_space<vmem_shared>>) target(%dma_start3A_129 : memref<128x64xf32, #tpu.memory_space<hbm>>) target_semaphore(%run_scoped3A_126 : memref<!tpu.dma_semaphore, #tpu.memory_space<semaphore_mem>>)
      %dma_wait3A_132 = arith.constant 0 : i32
      %dma_wait3A_133 = tpu.memref_slice %arg5[%arg0, %add3A_117, %dma_wait3A_132] : memref<2x10240x64xf32, #tpu.memory_space<hbm>> -> memref<1x128x64xf32, #tpu.memory_space<hbm>>
      %dma_wait3A_134 = tpu.memref_squeeze %dma_wait3A_133 : memref<1x128x64xf32, #tpu.memory_space<hbm>> -> memref<128x64xf32, #tpu.memory_space<hbm>>
      %dma_wait3A_135 = arith.constant 0 : i32
      %dma_wait3A_136 = tpu.memref_slice %arg11[%add3A_117, %dma_wait3A_135] : memref<10240x64xf32, #tpu.memory_space<vmem_shared>> -> memref<128x64xf32, #tpu.memory_space<vmem_shared>>
      tpu.wait_dma2 semaphore(%run_scoped3A_126 : memref<!tpu.dma_semaphore, #tpu.memory_space<semaphore_mem>>) src(%dma_wait3A_136 : memref<128x64xf32, #tpu.memory_space<vmem_shared>>) dst(%dma_wait3A_134 : memref<128x64xf32, #tpu.memory_space<hbm>>)
      tpu.yield
    }) : () -> ()
    "tpu.region"() ({
      %run_scoped3A_126 = tpu.sem_alloc : memref<!tpu.dma_semaphore, #tpu.memory_space<semaphore_mem>>
      %dma_start3A_127 = arith.constant 0 : i32
      %dma_start3A_128 = tpu.memref_slice %arg6[%arg0, %add3A_117, %dma_start3A_127] : memref<2x10240x16xf32, #tpu.memory_space<hbm>> -> memref<1x128x16xf32, #tpu.memory_space<hbm>>
      %dma_start3A_129 = tpu.memref_squeeze %dma_start3A_128 : memref<1x128x16xf32, #tpu.memory_space<hbm>> -> memref<128x16xf32, #tpu.memory_space<hbm>>
      %dma_start3A_130 = arith.constant 0 : i32
      %dma_start3A_131 = tpu.memref_slice %arg12[%add3A_117, %dma_start3A_130] : memref<10240x16xf32, #tpu.memory_space<vmem_shared>> -> memref<128x16xf32, #tpu.memory_space<vmem_shared>>
      tpu.enqueue_dma source(%dma_start3A_131 : memref<128x16xf32, #tpu.memory_space<vmem_shared>>) target(%dma_start3A_129 : memref<128x16xf32, #tpu.memory_space<hbm>>) target_semaphore(%run_scoped3A_126 : memref<!tpu.dma_semaphore, #tpu.memory_space<semaphore_mem>>)
      %dma_wait3A_132 = arith.constant 0 : i32
      %dma_wait3A_133 = tpu.memref_slice %arg6[%arg0, %add3A_117, %dma_wait3A_132] : memref<2x10240x16xf32, #tpu.memory_space<hbm>> -> memref<1x128x16xf32, #tpu.memory_space<hbm>>
      %dma_wait3A_134 = tpu.memref_squeeze %dma_wait3A_133 : memref<1x128x16xf32, #tpu.memory_space<hbm>> -> memref<128x16xf32, #tpu.memory_space<hbm>>
      %dma_wait3A_135 = arith.constant 0 : i32
      %dma_wait3A_136 = tpu.memref_slice %arg12[%add3A_117, %dma_wait3A_135] : memref<10240x16xf32, #tpu.memory_space<vmem_shared>> -> memref<128x16xf32, #tpu.memory_space<vmem_shared>>
      tpu.wait_dma2 semaphore(%run_scoped3A_126 : memref<!tpu.dma_semaphore, #tpu.memory_space<semaphore_mem>>) src(%dma_wait3A_136 : memref<128x16xf32, #tpu.memory_space<vmem_shared>>) dst(%dma_wait3A_134 : memref<128x16xf32, #tpu.memory_space<hbm>>)
      tpu.yield
    }) : () -> ()
    %mul3A_118 = arith.constant 640 : i32
    %mul3A_119 = arith.muli %arg1, %mul3A_118 : i32
    %add3A_120 = arith.constant 384 : i32
    %add3A_121 = arith.addi %mul3A_119, %add3A_120 : i32
    "tpu.region"() ({
      %run_scoped3A_126 = tpu.sem_alloc : memref<!tpu.dma_semaphore, #tpu.memory_space<semaphore_mem>>
      %dma_start3A_127 = arith.constant 0 : i32
      %dma_start3A_128 = tpu.memref_slice %arg5[%arg0, %add3A_121, %dma_start3A_127] : memref<2x10240x64xf32, #tpu.memory_space<hbm>> -> memref<1x128x64xf32, #tpu.memory_space<hbm>>
      %dma_start3A_129 = tpu.memref_squeeze %dma_start3A_128 : memref<1x128x64xf32, #tpu.memory_space<hbm>> -> memref<128x64xf32, #tpu.memory_space<hbm>>
      %dma_start3A_130 = arith.constant 0 : i32
      %dma_start3A_131 = tpu.memref_slice %arg11[%add3A_121, %dma_start3A_130] : memref<10240x64xf32, #tpu.memory_space<vmem_shared>> -> memref<128x64xf32, #tpu.memory_space<vmem_shared>>
      tpu.enqueue_dma source(%dma_start3A_131 : memref<128x64xf32, #tpu.memory_space<vmem_shared>>) target(%dma_start3A_129 : memref<128x64xf32, #tpu.memory_space<hbm>>) target_semaphore(%run_scoped3A_126 : memref<!tpu.dma_semaphore, #tpu.memory_space<semaphore_mem>>)
      %dma_wait3A_132 = arith.constant 0 : i32
      %dma_wait3A_133 = tpu.memref_slice %arg5[%arg0, %add3A_121, %dma_wait3A_132] : memref<2x10240x64xf32, #tpu.memory_space<hbm>> -> memref<1x128x64xf32, #tpu.memory_space<hbm>>
      %dma_wait3A_134 = tpu.memref_squeeze %dma_wait3A_133 : memref<1x128x64xf32, #tpu.memory_space<hbm>> -> memref<128x64xf32, #tpu.memory_space<hbm>>
      %dma_wait3A_135 = arith.constant 0 : i32
      %dma_wait3A_136 = tpu.memref_slice %arg11[%add3A_121, %dma_wait3A_135] : memref<10240x64xf32, #tpu.memory_space<vmem_shared>> -> memref<128x64xf32, #tpu.memory_space<vmem_shared>>
      tpu.wait_dma2 semaphore(%run_scoped3A_126 : memref<!tpu.dma_semaphore, #tpu.memory_space<semaphore_mem>>) src(%dma_wait3A_136 : memref<128x64xf32, #tpu.memory_space<vmem_shared>>) dst(%dma_wait3A_134 : memref<128x64xf32, #tpu.memory_space<hbm>>)
      tpu.yield
    }) : () -> ()
    "tpu.region"() ({
      %run_scoped3A_126 = tpu.sem_alloc : memref<!tpu.dma_semaphore, #tpu.memory_space<semaphore_mem>>
      %dma_start3A_127 = arith.constant 0 : i32
      %dma_start3A_128 = tpu.memref_slice %arg6[%arg0, %add3A_121, %dma_start3A_127] : memref<2x10240x16xf32, #tpu.memory_space<hbm>> -> memref<1x128x16xf32, #tpu.memory_space<hbm>>
      %dma_start3A_129 = tpu.memref_squeeze %dma_start3A_128 : memref<1x128x16xf32, #tpu.memory_space<hbm>> -> memref<128x16xf32, #tpu.memory_space<hbm>>
      %dma_start3A_130 = arith.constant 0 : i32
      %dma_start3A_131 = tpu.memref_slice %arg12[%add3A_121, %dma_start3A_130] : memref<10240x16xf32, #tpu.memory_space<vmem_shared>> -> memref<128x16xf32, #tpu.memory_space<vmem_shared>>
      tpu.enqueue_dma source(%dma_start3A_131 : memref<128x16xf32, #tpu.memory_space<vmem_shared>>) target(%dma_start3A_129 : memref<128x16xf32, #tpu.memory_space<hbm>>) target_semaphore(%run_scoped3A_126 : memref<!tpu.dma_semaphore, #tpu.memory_space<semaphore_mem>>)
      %dma_wait3A_132 = arith.constant 0 : i32
      %dma_wait3A_133 = tpu.memref_slice %arg6[%arg0, %add3A_121, %dma_wait3A_132] : memref<2x10240x16xf32, #tpu.memory_space<hbm>> -> memref<1x128x16xf32, #tpu.memory_space<hbm>>
      %dma_wait3A_134 = tpu.memref_squeeze %dma_wait3A_133 : memref<1x128x16xf32, #tpu.memory_space<hbm>> -> memref<128x16xf32, #tpu.memory_space<hbm>>
      %dma_wait3A_135 = arith.constant 0 : i32
      %dma_wait3A_136 = tpu.memref_slice %arg12[%add3A_121, %dma_wait3A_135] : memref<10240x16xf32, #tpu.memory_space<vmem_shared>> -> memref<128x16xf32, #tpu.memory_space<vmem_shared>>
      tpu.wait_dma2 semaphore(%run_scoped3A_126 : memref<!tpu.dma_semaphore, #tpu.memory_space<semaphore_mem>>) src(%dma_wait3A_136 : memref<128x16xf32, #tpu.memory_space<vmem_shared>>) dst(%dma_wait3A_134 : memref<128x16xf32, #tpu.memory_space<hbm>>)
      tpu.yield
    }) : () -> ()
    %mul3A_122 = arith.constant 640 : i32
    %mul3A_123 = arith.muli %arg1, %mul3A_122 : i32
    %add3A_124 = arith.constant 512 : i32
    %add3A_125 = arith.addi %mul3A_123, %add3A_124 : i32
    "tpu.region"() ({
      %run_scoped3A_126 = tpu.sem_alloc : memref<!tpu.dma_semaphore, #tpu.memory_space<semaphore_mem>>
      %dma_start3A_127 = arith.constant 0 : i32
      %dma_start3A_128 = tpu.memref_slice %arg5[%arg0, %add3A_125, %dma_start3A_127] : memref<2x10240x64xf32, #tpu.memory_space<hbm>> -> memref<1x128x64xf32, #tpu.memory_space<hbm>>
      %dma_start3A_129 = tpu.memref_squeeze %dma_start3A_128 : memref<1x128x64xf32, #tpu.memory_space<hbm>> -> memref<128x64xf32, #tpu.memory_space<hbm>>
      %dma_start3A_130 = arith.constant 0 : i32
      %dma_start3A_131 = tpu.memref_slice %arg11[%add3A_125, %dma_start3A_130] : memref<10240x64xf32, #tpu.memory_space<vmem_shared>> -> memref<128x64xf32, #tpu.memory_space<vmem_shared>>
      tpu.enqueue_dma source(%dma_start3A_131 : memref<128x64xf32, #tpu.memory_space<vmem_shared>>) target(%dma_start3A_129 : memref<128x64xf32, #tpu.memory_space<hbm>>) target_semaphore(%run_scoped3A_126 : memref<!tpu.dma_semaphore, #tpu.memory_space<semaphore_mem>>)
      %dma_wait3A_132 = arith.constant 0 : i32
      %dma_wait3A_133 = tpu.memref_slice %arg5[%arg0, %add3A_125, %dma_wait3A_132] : memref<2x10240x64xf32, #tpu.memory_space<hbm>> -> memref<1x128x64xf32, #tpu.memory_space<hbm>>
      %dma_wait3A_134 = tpu.memref_squeeze %dma_wait3A_133 : memref<1x128x64xf32, #tpu.memory_space<hbm>> -> memref<128x64xf32, #tpu.memory_space<hbm>>
      %dma_wait3A_135 = arith.constant 0 : i32
      %dma_wait3A_136 = tpu.memref_slice %arg11[%add3A_125, %dma_wait3A_135] : memref<10240x64xf32, #tpu.memory_space<vmem_shared>> -> memref<128x64xf32, #tpu.memory_space<vmem_shared>>
      tpu.wait_dma2 semaphore(%run_scoped3A_126 : memref<!tpu.dma_semaphore, #tpu.memory_space<semaphore_mem>>) src(%dma_wait3A_136 : memref<128x64xf32, #tpu.memory_space<vmem_shared>>) dst(%dma_wait3A_134 : memref<128x64xf32, #tpu.memory_space<hbm>>)
      tpu.yield
    }) : () -> ()
    "tpu.region"() ({
      %run_scoped3A_126 = tpu.sem_alloc : memref<!tpu.dma_semaphore, #tpu.memory_space<semaphore_mem>>
      %dma_start3A_127 = arith.constant 0 : i32
      %dma_start3A_128 = tpu.memref_slice %arg6[%arg0, %add3A_125, %dma_start3A_127] : memref<2x10240x16xf32, #tpu.memory_space<hbm>> -> memref<1x128x16xf32, #tpu.memory_space<hbm>>
      %dma_start3A_129 = tpu.memref_squeeze %dma_start3A_128 : memref<1x128x16xf32, #tpu.memory_space<hbm>> -> memref<128x16xf32, #tpu.memory_space<hbm>>
      %dma_start3A_130 = arith.constant 0 : i32
      %dma_start3A_131 = tpu.memref_slice %arg12[%add3A_125, %dma_start3A_130] : memref<10240x16xf32, #tpu.memory_space<vmem_shared>> -> memref<128x16xf32, #tpu.memory_space<vmem_shared>>
      tpu.enqueue_dma source(%dma_start3A_131 : memref<128x16xf32, #tpu.memory_space<vmem_shared>>) target(%dma_start3A_129 : memref<128x16xf32, #tpu.memory_space<hbm>>) target_semaphore(%run_scoped3A_126 : memref<!tpu.dma_semaphore, #tpu.memory_space<semaphore_mem>>)
      %dma_wait3A_132 = arith.constant 0 : i32
      %dma_wait3A_133 = tpu.memref_slice %arg6[%arg0, %add3A_125, %dma_wait3A_132] : memref<2x10240x16xf32, #tpu.memory_space<hbm>> -> memref<1x128x16xf32, #tpu.memory_space<hbm>>
      %dma_wait3A_134 = tpu.memref_squeeze %dma_wait3A_133 : memref<1x128x16xf32, #tpu.memory_space<hbm>> -> memref<128x16xf32, #tpu.memory_space<hbm>>
      %dma_wait3A_135 = arith.constant 0 : i32
      %dma_wait3A_136 = tpu.memref_slice %arg12[%add3A_125, %dma_wait3A_135] : memref<10240x16xf32, #tpu.memory_space<vmem_shared>> -> memref<128x16xf32, #tpu.memory_space<vmem_shared>>
      tpu.wait_dma2 semaphore(%run_scoped3A_126 : memref<!tpu.dma_semaphore, #tpu.memory_space<semaphore_mem>>) src(%dma_wait3A_136 : memref<128x16xf32, #tpu.memory_space<vmem_shared>>) dst(%dma_wait3A_134 : memref<128x16xf32, #tpu.memory_space<hbm>>)
      tpu.yield
    }) : () -> ()
    return
  }
}

module attributes {stable_mosaic.version = 14 : i64} {
  func.func @_tc_body(%arg0: i32, %arg1: memref<2x400x64xf32, #tpu.memory_space<vmem>>, %arg2: memref<2x400x16xf32, #tpu.memory_space<vmem>>, %arg3: memref<400x128xf32, #tpu.memory_space<vmem>>, %arg4: memref<1x1x400xi32, #tpu.memory_space<vmem>>, %arg5: memref<400x8xi32, #tpu.memory_space<vmem>>, %arg6: memref<128x256xf32, #tpu.memory_space<vmem>>, %arg7: memref<1x256xf32, #tpu.memory_space<vmem>>, %arg8: memref<128x256xf32, #tpu.memory_space<vmem>>, %arg9: memref<256x128xf32, #tpu.memory_space<vmem>>, %arg10: memref<1x128xf32, #tpu.memory_space<vmem>>, %arg11: memref<128x128xf32, #tpu.memory_space<vmem>>, %arg12: memref<128x256xf32, #tpu.memory_space<vmem>>) attributes {dimension_semantics = [#tpu.dimension_semantics<arbitrary>], iteration_bounds = array<i64: 25>, scalar_prefetch = 0 : i64, scratch_operands = 1 : i64, tpu.core_type = #tpu.core_type<tc>, window_params = [{transform_indices = @transform_0, window_bounds = array<i64: 2, 400, 64>}, {transform_indices = @transform_1, window_bounds = array<i64: 2, 400, 16>}, {transform_indices = @transform_2, window_bounds = array<i64: 400, 128>}, {transform_indices = @transform_3, window_bounds = array<i64: 1, 1, 400>}, {transform_indices = @transform_4, window_bounds = array<i64: 400, 8>}, {pipeline_mode = #tpu.pipeline_mode<synchronous>, transform_indices = @transform_5, window_bounds = array<i64: 128, 256>}, {pipeline_mode = #tpu.pipeline_mode<synchronous>, transform_indices = @transform_6, window_bounds = array<i64: 1, 256>}, {pipeline_mode = #tpu.pipeline_mode<synchronous>, transform_indices = @transform_7, window_bounds = array<i64: 128, 256>}, {pipeline_mode = #tpu.pipeline_mode<synchronous>, transform_indices = @transform_8, window_bounds = array<i64: 256, 128>}, {pipeline_mode = #tpu.pipeline_mode<synchronous>, transform_indices = @transform_9, window_bounds = array<i64: 1, 128>}, {pipeline_mode = #tpu.pipeline_mode<synchronous>, transform_indices = @transform_10, window_bounds = array<i64: 128, 128>}]} {
    %get3A = arith.constant 0 : index
    %get3A_0 = arith.constant 0 : index
    %get3A_1 = arith.constant 0 : index
    %get3A_2 = vector.load %arg1[%get3A, %get3A_0, %get3A_1] : memref<2x400x64xf32, #tpu.memory_space<vmem>>, vector<1x400x64xf32>
    %get3A_3 = vector.shape_cast %get3A_2 : vector<1x400x64xf32> to vector<400x64xf32>
    %get3A_4 = arith.constant 1 : index
    %get3A_5 = arith.constant 0 : index
    %get3A_6 = arith.constant 0 : index
    %get3A_7 = vector.load %arg1[%get3A_4, %get3A_5, %get3A_6] : memref<2x400x64xf32, #tpu.memory_space<vmem>>, vector<1x400x64xf32>
    %get3A_8 = vector.shape_cast %get3A_7 : vector<1x400x64xf32> to vector<400x64xf32>
    %concatenate3A = tpu.concatenate %get3A_3, %get3A_8 in 1 : vector<400x64xf32>, vector<400x64xf32> -> vector<400x128xf32>
    %get3A_9 = arith.constant 0 : index
    %get3A_10 = arith.constant 0 : index
    %get3A_11 = arith.constant 0 : index
    %get3A_12 = vector.load %arg2[%get3A_9, %get3A_10, %get3A_11] : memref<2x400x16xf32, #tpu.memory_space<vmem>>, vector<1x400x1xf32>
    %get3A_13 = vector.shape_cast %get3A_12 : vector<1x400x1xf32> to vector<400x1xf32>
    %max3A = arith.constant 1.000000e+00 : f32
    %max3A_14 = vector.broadcast %max3A : f32 to vector<400x1xf32>
    %max3A_15 = arith.maximumf %get3A_13, %max3A_14 : vector<400x1xf32>
    %div3A = vector.broadcast %max3A_15 : vector<400x1xf32> to vector<400x128xf32>
    %div3A_16 = arith.divf %concatenate3A, %div3A : vector<400x128xf32>
    %get3A_17 = arith.constant 0 : index
    %get3A_18 = arith.constant 0 : index
    %get3A_19 = vector.load %arg6[%get3A_17, %get3A_18] : memref<128x256xf32, #tpu.memory_space<vmem>>, vector<128x256xf32>
    %dot_general3A = arith.constant dense<0.000000e+00> : vector<400x256xf32>
    %dot_general3A_20 = tpu.matmul %div3A_16, %get3A_19, %dot_general3A {dimension_numbers = #tpu.dot_dimension_numbers<[1], [0], [0], [1], [0, 0, 1, 1], [], []>, transpose_lhs_hint = false} : vector<400x128xf32>, vector<128x256xf32>, vector<400x256xf32> -> vector<400x256xf32>
    %get3A_21 = arith.constant 0 : index
    %get3A_22 = arith.constant 0 : index
    %get3A_23 = vector.load %arg3[%get3A_21, %get3A_22] : memref<400x128xf32, #tpu.memory_space<vmem>>, vector<400x128xf32>
    %get3A_24 = arith.constant 0 : index
    %get3A_25 = arith.constant 0 : index
    %get3A_26 = vector.load %arg8[%get3A_24, %get3A_25] : memref<128x256xf32, #tpu.memory_space<vmem>>, vector<128x256xf32>
    %dot_general3A_27 = arith.constant dense<0.000000e+00> : vector<400x256xf32>
    %dot_general3A_28 = tpu.matmul %get3A_23, %get3A_26, %dot_general3A_27 {dimension_numbers = #tpu.dot_dimension_numbers<[1], [0], [0], [1], [0, 0, 1, 1], [], []>, transpose_lhs_hint = false} : vector<400x128xf32>, vector<128x256xf32>, vector<400x256xf32> -> vector<400x256xf32>
    %add3A = arith.addf %dot_general3A_20, %dot_general3A_28 : vector<400x256xf32>
    %get3A_29 = arith.constant 0 : index
    %get3A_30 = arith.constant 0 : index
    %get3A_31 = vector.load %arg7[%get3A_29, %get3A_30] : memref<1x256xf32, #tpu.memory_space<vmem>>, vector<1x256xf32>
    %add3A_32 = vector.broadcast %get3A_31 : vector<1x256xf32> to vector<400x256xf32>
    %add3A_33 = arith.addf %add3A, %add3A_32 : vector<400x256xf32>
    %max3A_34 = arith.constant 0.000000e+00 : f32
    %max3A_35 = vector.broadcast %max3A_34 : f32 to vector<400x256xf32>
    %max3A_36 = arith.maximumf %add3A_33, %max3A_35 : vector<400x256xf32>
    %get3A_37 = arith.constant 0 : index
    %get3A_38 = arith.constant 0 : index
    %get3A_39 = arith.constant 0 : index
    %get3A_40 = vector.load %arg4[%get3A_37, %get3A_38, %get3A_39] : memref<1x1x400xi32, #tpu.memory_space<vmem>>, vector<1x1x400xi32>
    %get3A_41 = vector.shape_cast %get3A_40 : vector<1x1x400xi32> to vector<1x400xi32>
    %get3A_42 = arith.constant 0 : index
    %get3A_43 = arith.constant 0 : index
    %get3A_44 = vector.load %arg5[%get3A_42, %get3A_43] : memref<400x8xi32, #tpu.memory_space<vmem>>, vector<400x8xi32>
    %roll3A = arith.constant 399 : i32
    %roll3A_45 = tpu.dynamic_rotate %get3A_44 by %roll3A dim 0 : vector<400x8xi32>, i32 -> vector<400x8xi32>
    %eq3A = arith.cmpi eq, %roll3A_45, %get3A_44 : vector<400x8xi32>
    %slice3A = vector.extract_strided_slice %eq3A {offsets = [0, 0], sizes = [400, 1], strides = [1, 1]} : vector<400x8xi1> to vector<400x1xi1>
    %roll3A_46 = arith.constant 399 : i32
    %roll3A_47 = tpu.dynamic_rotate %max3A_36 by %roll3A_46 dim 0 : vector<400x256xf32>, i32 -> vector<400x256xf32>
    %max3A_48 = arith.maximumf %max3A_36, %roll3A_47 : vector<400x256xf32>
    %broadcast_in_dim3A = vector.shape_cast %slice3A : vector<400x1xi1> to vector<400x1xi1>
    %broadcast_in_dim3A_49 = vector.broadcast %broadcast_in_dim3A : vector<400x1xi1> to vector<400x256xi1>
    %select_n3A = arith.select %broadcast_in_dim3A_49, %max3A_48, %max3A_36 : vector<400x256xi1>, vector<400x256xf32>
    %roll3A_50 = arith.constant 398 : i32
    %roll3A_51 = tpu.dynamic_rotate %get3A_44 by %roll3A_50 dim 0 : vector<400x8xi32>, i32 -> vector<400x8xi32>
    %eq3A_52 = arith.cmpi eq, %roll3A_51, %get3A_44 : vector<400x8xi32>
    %slice3A_53 = vector.extract_strided_slice %eq3A_52 {offsets = [0, 0], sizes = [400, 1], strides = [1, 1]} : vector<400x8xi1> to vector<400x1xi1>
    %roll3A_54 = arith.constant 398 : i32
    %roll3A_55 = tpu.dynamic_rotate %select_n3A by %roll3A_54 dim 0 : vector<400x256xf32>, i32 -> vector<400x256xf32>
    %max3A_56 = arith.maximumf %select_n3A, %roll3A_55 : vector<400x256xf32>
    %broadcast_in_dim3A_57 = vector.shape_cast %slice3A_53 : vector<400x1xi1> to vector<400x1xi1>
    %broadcast_in_dim3A_58 = vector.broadcast %broadcast_in_dim3A_57 : vector<400x1xi1> to vector<400x256xi1>
    %select_n3A_59 = arith.select %broadcast_in_dim3A_58, %max3A_56, %select_n3A : vector<400x256xi1>, vector<400x256xf32>
    %roll3A_60 = arith.constant 396 : i32
    %roll3A_61 = tpu.dynamic_rotate %get3A_44 by %roll3A_60 dim 0 : vector<400x8xi32>, i32 -> vector<400x8xi32>
    %eq3A_62 = arith.cmpi eq, %roll3A_61, %get3A_44 : vector<400x8xi32>
    %slice3A_63 = vector.extract_strided_slice %eq3A_62 {offsets = [0, 0], sizes = [400, 1], strides = [1, 1]} : vector<400x8xi1> to vector<400x1xi1>
    %roll3A_64 = arith.constant 396 : i32
    %roll3A_65 = tpu.dynamic_rotate %select_n3A_59 by %roll3A_64 dim 0 : vector<400x256xf32>, i32 -> vector<400x256xf32>
    %max3A_66 = arith.maximumf %select_n3A_59, %roll3A_65 : vector<400x256xf32>
    %broadcast_in_dim3A_67 = vector.shape_cast %slice3A_63 : vector<400x1xi1> to vector<400x1xi1>
    %broadcast_in_dim3A_68 = vector.broadcast %broadcast_in_dim3A_67 : vector<400x1xi1> to vector<400x256xi1>
    %select_n3A_69 = arith.select %broadcast_in_dim3A_68, %max3A_66, %select_n3A_59 : vector<400x256xi1>, vector<400x256xf32>
    %roll3A_70 = arith.constant 392 : i32
    %roll3A_71 = tpu.dynamic_rotate %get3A_44 by %roll3A_70 dim 0 : vector<400x8xi32>, i32 -> vector<400x8xi32>
    %eq3A_72 = arith.cmpi eq, %roll3A_71, %get3A_44 : vector<400x8xi32>
    %slice3A_73 = vector.extract_strided_slice %eq3A_72 {offsets = [0, 0], sizes = [400, 1], strides = [1, 1]} : vector<400x8xi1> to vector<400x1xi1>
    %roll3A_74 = arith.constant 392 : i32
    %roll3A_75 = tpu.dynamic_rotate %select_n3A_69 by %roll3A_74 dim 0 : vector<400x256xf32>, i32 -> vector<400x256xf32>
    %max3A_76 = arith.maximumf %select_n3A_69, %roll3A_75 : vector<400x256xf32>
    %broadcast_in_dim3A_77 = vector.shape_cast %slice3A_73 : vector<400x1xi1> to vector<400x1xi1>
    %broadcast_in_dim3A_78 = vector.broadcast %broadcast_in_dim3A_77 : vector<400x1xi1> to vector<400x256xi1>
    %select_n3A_79 = arith.select %broadcast_in_dim3A_78, %max3A_76, %select_n3A_69 : vector<400x256xi1>, vector<400x256xf32>
    %roll3A_80 = arith.constant 384 : i32
    %roll3A_81 = tpu.dynamic_rotate %get3A_44 by %roll3A_80 dim 0 : vector<400x8xi32>, i32 -> vector<400x8xi32>
    %eq3A_82 = arith.cmpi eq, %roll3A_81, %get3A_44 : vector<400x8xi32>
    %slice3A_83 = vector.extract_strided_slice %eq3A_82 {offsets = [0, 0], sizes = [400, 1], strides = [1, 1]} : vector<400x8xi1> to vector<400x1xi1>
    %roll3A_84 = arith.constant 384 : i32
    %roll3A_85 = tpu.dynamic_rotate %select_n3A_79 by %roll3A_84 dim 0 : vector<400x256xf32>, i32 -> vector<400x256xf32>
    %max3A_86 = arith.maximumf %select_n3A_79, %roll3A_85 : vector<400x256xf32>
    %broadcast_in_dim3A_87 = vector.shape_cast %slice3A_83 : vector<400x1xi1> to vector<400x1xi1>
    %broadcast_in_dim3A_88 = vector.broadcast %broadcast_in_dim3A_87 : vector<400x1xi1> to vector<400x256xi1>
    %select_n3A_89 = arith.select %broadcast_in_dim3A_88, %max3A_86, %select_n3A_79 : vector<400x256xi1>, vector<400x256xf32>
    %roll3A_90 = arith.constant 368 : i32
    %roll3A_91 = tpu.dynamic_rotate %get3A_44 by %roll3A_90 dim 0 : vector<400x8xi32>, i32 -> vector<400x8xi32>
    %eq3A_92 = arith.cmpi eq, %roll3A_91, %get3A_44 : vector<400x8xi32>
    %slice3A_93 = vector.extract_strided_slice %eq3A_92 {offsets = [0, 0], sizes = [400, 1], strides = [1, 1]} : vector<400x8xi1> to vector<400x1xi1>
    %roll3A_94 = arith.constant 368 : i32
    %roll3A_95 = tpu.dynamic_rotate %select_n3A_89 by %roll3A_94 dim 0 : vector<400x256xf32>, i32 -> vector<400x256xf32>
    %max3A_96 = arith.maximumf %select_n3A_89, %roll3A_95 : vector<400x256xf32>
    %broadcast_in_dim3A_97 = vector.shape_cast %slice3A_93 : vector<400x1xi1> to vector<400x1xi1>
    %broadcast_in_dim3A_98 = vector.broadcast %broadcast_in_dim3A_97 : vector<400x1xi1> to vector<400x256xi1>
    %select_n3A_99 = arith.select %broadcast_in_dim3A_98, %max3A_96, %select_n3A_89 : vector<400x256xi1>, vector<400x256xf32>
    %roll3A_100 = arith.constant 336 : i32
    %roll3A_101 = tpu.dynamic_rotate %get3A_44 by %roll3A_100 dim 0 : vector<400x8xi32>, i32 -> vector<400x8xi32>
    %eq3A_102 = arith.cmpi eq, %roll3A_101, %get3A_44 : vector<400x8xi32>
    %slice3A_103 = vector.extract_strided_slice %eq3A_102 {offsets = [0, 0], sizes = [400, 1], strides = [1, 1]} : vector<400x8xi1> to vector<400x1xi1>
    %roll3A_104 = arith.constant 336 : i32
    %roll3A_105 = tpu.dynamic_rotate %select_n3A_99 by %roll3A_104 dim 0 : vector<400x256xf32>, i32 -> vector<400x256xf32>
    %max3A_106 = arith.maximumf %select_n3A_99, %roll3A_105 : vector<400x256xf32>
    %broadcast_in_dim3A_107 = vector.shape_cast %slice3A_103 : vector<400x1xi1> to vector<400x1xi1>
    %broadcast_in_dim3A_108 = vector.broadcast %broadcast_in_dim3A_107 : vector<400x1xi1> to vector<400x256xi1>
    %select_n3A_109 = arith.select %broadcast_in_dim3A_108, %max3A_106, %select_n3A_99 : vector<400x256xi1>, vector<400x256xf32>
    %roll3A_110 = arith.constant 272 : i32
    %roll3A_111 = tpu.dynamic_rotate %get3A_44 by %roll3A_110 dim 0 : vector<400x8xi32>, i32 -> vector<400x8xi32>
    %eq3A_112 = arith.cmpi eq, %roll3A_111, %get3A_44 : vector<400x8xi32>
    %slice3A_113 = vector.extract_strided_slice %eq3A_112 {offsets = [0, 0], sizes = [400, 1], strides = [1, 1]} : vector<400x8xi1> to vector<400x1xi1>
    %roll3A_114 = arith.constant 272 : i32
    %roll3A_115 = tpu.dynamic_rotate %select_n3A_109 by %roll3A_114 dim 0 : vector<400x256xf32>, i32 -> vector<400x256xf32>
    %max3A_116 = arith.maximumf %select_n3A_109, %roll3A_115 : vector<400x256xf32>
    %broadcast_in_dim3A_117 = vector.shape_cast %slice3A_113 : vector<400x1xi1> to vector<400x1xi1>
    %broadcast_in_dim3A_118 = vector.broadcast %broadcast_in_dim3A_117 : vector<400x1xi1> to vector<400x256xi1>
    %select_n3A_119 = arith.select %broadcast_in_dim3A_118, %max3A_116, %select_n3A_109 : vector<400x256xi1>, vector<400x256xf32>
    %roll3A_120 = arith.constant 144 : i32
    %roll3A_121 = tpu.dynamic_rotate %get3A_44 by %roll3A_120 dim 0 : vector<400x8xi32>, i32 -> vector<400x8xi32>
    %eq3A_122 = arith.cmpi eq, %roll3A_121, %get3A_44 : vector<400x8xi32>
    %slice3A_123 = vector.extract_strided_slice %eq3A_122 {offsets = [0, 0], sizes = [400, 1], strides = [1, 1]} : vector<400x8xi1> to vector<400x1xi1>
    %roll3A_124 = arith.constant 144 : i32
    %roll3A_125 = tpu.dynamic_rotate %select_n3A_119 by %roll3A_124 dim 0 : vector<400x256xf32>, i32 -> vector<400x256xf32>
    %max3A_126 = arith.maximumf %select_n3A_119, %roll3A_125 : vector<400x256xf32>
    %broadcast_in_dim3A_127 = vector.shape_cast %slice3A_123 : vector<400x1xi1> to vector<400x1xi1>
    %broadcast_in_dim3A_128 = vector.broadcast %broadcast_in_dim3A_127 : vector<400x1xi1> to vector<400x256xi1>
    %select_n3A_129 = arith.select %broadcast_in_dim3A_128, %max3A_126, %select_n3A_119 : vector<400x256xi1>, vector<400x256xf32>
    %iota3A = tpu.iota {dimensions = array<i32: 1>} : vector<1x400xi32>
    %roll3A_130 = arith.constant 1 : i32
    %roll3A_131 = tpu.dynamic_rotate %get3A_41 by %roll3A_130 dim 1 : vector<1x400xi32>, i32 -> vector<1x400xi32>
    %ne3A = arith.cmpi ne, %get3A_41, %roll3A_131 : vector<1x400xi32>
    %eq3A_132 = arith.constant 0 : i32
    %eq3A_133 = vector.broadcast %eq3A_132 : i32 to vector<1x400xi32>
    %eq3A_134 = arith.cmpi eq, %iota3A, %eq3A_133 : vector<1x400xi32>
    %or3A = arith.ori %ne3A, %eq3A_134 : vector<1x400xi1>
    %iota3A_135 = tpu.iota {dimensions = array<i32: 0>} : vector<128x400xi32>
    %eq3A_136 = vector.broadcast %get3A_41 : vector<1x400xi32> to vector<128x400xi32>
    %eq3A_137 = arith.cmpi eq, %eq3A_136, %iota3A_135 : vector<128x400xi32>
    %and3A = vector.broadcast %or3A : vector<1x400xi1> to vector<128x400xi1>
    %and3A_138 = arith.andi %eq3A_137, %and3A : vector<128x400xi1>
    %convert_element_type3A = arith.extui %and3A_138 : vector<128x400xi1> to vector<128x400xi32>
    %convert_element_type3A_139 = arith.sitofp %convert_element_type3A : vector<128x400xi32> to vector<128x400xf32>
    %dot_general3A_140 = arith.constant dense<0.000000e+00> : vector<128x256xf32>
    %dot_general3A_141 = tpu.matmul %convert_element_type3A_139, %select_n3A_129, %dot_general3A_140 {dimension_numbers = #tpu.dot_dimension_numbers<[1], [0], [0], [1], [0, 0, 1, 1], [], []>, transpose_lhs_hint = false} : vector<128x400xf32>, vector<400x256xf32>, vector<128x256xf32> -> vector<128x256xf32>
    %convert_element_type3A_142 = arith.extui %eq3A_137 : vector<128x400xi1> to vector<128x400xi32>
    %convert_element_type3A_143 = arith.sitofp %convert_element_type3A_142 : vector<128x400xi32> to vector<128x400xf32>
    %reduce_max3A = arith.constant dense<0xFF800000> : vector<128xf32>
    %reduce_max3A_144 = vector.multi_reduction <maximumf>, %convert_element_type3A_143, %reduce_max3A [1] : vector<128x400xf32> to vector<128xf32>
    %broadcast_in_dim3A_145 = vector.shape_cast %reduce_max3A_144 : vector<128xf32> to vector<128x1xf32>
    %gt3A = arith.constant 0.000000e+00 : f32
    %gt3A_146 = vector.broadcast %gt3A : f32 to vector<128x1xf32>
    %gt3A_147 = arith.cmpf ogt, %broadcast_in_dim3A_145, %gt3A_146 : vector<128x1xf32>
    %jit3A = arith.constant 0xFF800000 : f32
    %broadcast_in_dim3A_148 = vector.shape_cast %gt3A_147 : vector<128x1xi1> to vector<128x1xi1>
    %broadcast_in_dim3A_149 = vector.broadcast %broadcast_in_dim3A_148 : vector<128x1xi1> to vector<128x256xi1>
    %broadcast_in_dim3A_150 = vector.broadcast %jit3A : f32 to vector<128x256xf32>
    %select_n3A_151 = arith.select %broadcast_in_dim3A_149, %dot_general3A_141, %broadcast_in_dim3A_150 : vector<128x256xi1>, vector<128x256xf32>
    %eq3A_152 = arith.constant 0 : i32
    %eq3A_153 = arith.cmpi eq, %arg0, %eq3A_152 : i32
    %convert_element_type3A_154 = arith.extui %eq3A_153 : i1 to i32
    %cond3A = arith.constant 0 : i32
    %cond3A_155 = arith.cmpi ne, %convert_element_type3A_154, %cond3A : i32
    scf.if %cond3A_155 {
      %swap3A = arith.constant 0 : index
      %swap3A_166 = arith.constant 0 : index
      %swap3A_167 = vector.load %arg12[%swap3A, %swap3A_166] : memref<128x256xf32, #tpu.memory_space<vmem>>, vector<128x256xf32>
      tpu.vector_store %arg12[%swap3A, %swap3A_166], %select_n3A_151 {strides = array<i32>} : memref<128x256xf32, #tpu.memory_space<vmem>>, vector<128x256xf32>,
    } else {
    }
    %gt3A_156 = arith.constant 0 : i32
    %gt3A_157 = arith.cmpi sgt, %arg0, %gt3A_156 : i32
    %convert_element_type3A_158 = arith.extui %gt3A_157 : i1 to i32
    %cond3A_159 = arith.constant 0 : i32
    %cond3A_160 = arith.cmpi ne, %convert_element_type3A_158, %cond3A_159 : i32
    scf.if %cond3A_160 {
      %get3A_166 = arith.constant 0 : index
      %get3A_167 = arith.constant 0 : index
      %get3A_168 = vector.load %arg12[%get3A_166, %get3A_167] : memref<128x256xf32, #tpu.memory_space<vmem>>, vector<128x256xf32>
      %max3A_169 = arith.maximumf %get3A_168, %select_n3A_151 : vector<128x256xf32>
      %swap3A = arith.constant 0 : index
      %swap3A_170 = arith.constant 0 : index
      %swap3A_171 = vector.load %arg12[%swap3A, %swap3A_170] : memref<128x256xf32, #tpu.memory_space<vmem>>, vector<128x256xf32>
      tpu.vector_store %arg12[%swap3A, %swap3A_170], %max3A_169 {strides = array<i32>} : memref<128x256xf32, #tpu.memory_space<vmem>>, vector<128x256xf32>,
    } else {
    }
    %eq3A_161 = arith.constant 24 : i32
    %eq3A_162 = arith.cmpi eq, %arg0, %eq3A_161 : i32
    %convert_element_type3A_163 = arith.extui %eq3A_162 : i1 to i32
    %cond3A_164 = arith.constant 0 : i32
    %cond3A_165 = arith.cmpi ne, %convert_element_type3A_163, %cond3A_164 : i32
    scf.if %cond3A_165 {
      %get3A_166 = arith.constant 0 : index
      %get3A_167 = arith.constant 0 : index
      %get3A_168 = vector.load %arg12[%get3A_166, %get3A_167] : memref<128x256xf32, #tpu.memory_space<vmem>>, vector<128x256xf32>
      %get3A_169 = arith.constant 0 : index
      %get3A_170 = arith.constant 0 : index
      %get3A_171 = vector.load %arg9[%get3A_169, %get3A_170] : memref<256x128xf32, #tpu.memory_space<vmem>>, vector<256x128xf32>
      %dot_general3A_172 = arith.constant dense<0.000000e+00> : vector<128x128xf32>
      %dot_general3A_173 = tpu.matmul %get3A_168, %get3A_171, %dot_general3A_172 {dimension_numbers = #tpu.dot_dimension_numbers<[1], [0], [0], [1], [0, 0, 1, 1], [], []>, transpose_lhs_hint = false} : vector<128x256xf32>, vector<256x128xf32>, vector<128x128xf32> -> vector<128x128xf32>
      %get3A_174 = arith.constant 0 : index
      %get3A_175 = arith.constant 0 : index
      %get3A_176 = vector.load %arg10[%get3A_174, %get3A_175] : memref<1x128xf32, #tpu.memory_space<vmem>>, vector<1x128xf32>
      %add3A_177 = vector.broadcast %get3A_176 : vector<1x128xf32> to vector<128x128xf32>
      %add3A_178 = arith.addf %dot_general3A_173, %add3A_177 : vector<128x128xf32>
      %swap3A = arith.constant 0 : index
      %swap3A_179 = arith.constant 0 : index
      %swap3A_180 = vector.load %arg11[%swap3A, %swap3A_179] : memref<128x128xf32, #tpu.memory_space<vmem>>, vector<128x128xf32>
      tpu.vector_store %arg11[%swap3A, %swap3A_179], %add3A_178 {strides = array<i32>} : memref<128x128xf32, #tpu.memory_space<vmem>>, vector<128x128xf32>,
    } else {
    }
    return
  }
  func.func @transform_0(%arg0: i32) -> (i32, i32, i32) {
    %c0_i32 = arith.constant 0 : i32
    %c0_i32_0 = arith.constant 0 : i32
    %c0_i32_1 = arith.constant 0 : i32
    return %c0_i32, %arg0, %c0_i32_0 : i32, i32, i32
  }
  func.func @transform_1(%arg0: i32) -> (i32, i32, i32) {
    %c0_i32 = arith.constant 0 : i32
    %c0_i32_0 = arith.constant 0 : i32
    %c0_i32_1 = arith.constant 0 : i32
    return %c0_i32, %arg0, %c0_i32_0 : i32, i32, i32
  }
  func.func @transform_2(%arg0: i32) -> (i32, i32) {
    %c0_i32 = arith.constant 0 : i32
    %c0_i32_0 = arith.constant 0 : i32
    return %arg0, %c0_i32 : i32, i32
  }
  func.func @transform_3(%arg0: i32) -> (i32, i32, i32) {
    %c0_i32 = arith.constant 0 : i32
    %c0_i32_0 = arith.constant 0 : i32
    %c0_i32_1 = arith.constant 0 : i32
    return %arg0, %c0_i32, %c0_i32_0 : i32, i32, i32
  }
  func.func @transform_4(%arg0: i32) -> (i32, i32) {
    %c0_i32 = arith.constant 0 : i32
    %c0_i32_0 = arith.constant 0 : i32
    return %arg0, %c0_i32 : i32, i32
  }
  func.func @transform_5(%arg0: i32) -> (i32, i32) {
    %c0_i32 = arith.constant 0 : i32
    %c0_i32_0 = arith.constant 0 : i32
    %c0_i32_1 = arith.constant 0 : i32
    return %c0_i32, %c0_i32_0 : i32, i32
  }
  func.func @transform_6(%arg0: i32) -> (i32, i32) {
    %c0_i32 = arith.constant 0 : i32
    %c0_i32_0 = arith.constant 0 : i32
    %c0_i32_1 = arith.constant 0 : i32
    return %c0_i32, %c0_i32_0 : i32, i32
  }
  func.func @transform_7(%arg0: i32) -> (i32, i32) {
    %c0_i32 = arith.constant 0 : i32
    %c0_i32_0 = arith.constant 0 : i32
    %c0_i32_1 = arith.constant 0 : i32
    return %c0_i32, %c0_i32_0 : i32, i32
  }
  func.func @transform_8(%arg0: i32) -> (i32, i32) {
    %c0_i32 = arith.constant 0 : i32
    %c0_i32_0 = arith.constant 0 : i32
    %c0_i32_1 = arith.constant 0 : i32
    return %c0_i32, %c0_i32_0 : i32, i32
  }
  func.func @transform_9(%arg0: i32) -> (i32, i32) {
    %c0_i32 = arith.constant 0 : i32
    %c0_i32_0 = arith.constant 0 : i32
    %c0_i32_1 = arith.constant 0 : i32
    return %c0_i32, %c0_i32_0 : i32, i32
  }
  func.func @transform_10(%arg0: i32) -> (i32, i32) {
    %c0_i32 = arith.constant 0 : i32
    %c0_i32_0 = arith.constant 0 : i32
    %c0_i32_1 = arith.constant 0 : i32
    return %c0_i32, %c0_i32_0 : i32, i32
  }
}

</mosaic_0001>

<sc_bundles>
// kernel: kernel.4.cloned.1.call-start
scs
__scs_entry_jumppad:
0x0: {  	(pc) =	sbr.rel $0x88, $3  }
0x1: {  	(tag) =	ssettag $0x0;
	lr =	simm.s32 $0x1  }
0x2: {  	[smem:$0x3F99] =	sst lr;
	_ =	strace $0xD0000000  }
0x3: {  	_ = 	snop  }
0x4: {  	_ = 	snop  }
0x5: {  	_ = 	snop  }
0x6: {  	_ = 	snop  }
0x7: {  	_ = 	snop  }
__scs_overlays_trampoline_lowered:
0x8: {  	[smem:$0x3FA8] =	sst s0  }
0x9: {  	[smem:$0x3FA9] =	sst s1  }
0xa: {  	[smem:$0x3FAA] =	sst s2  }
0xb: {  	[smem:$0x3FAB] =	sst s3  }
0xc: {  	[smem:$0x3FAC] =	sst s4  }
0xd: {  	[smem:$0x3FAD] =	sst s5  }
0xe: {  	[smem:$0x3FAE] =	sst s6  }
0xf: {  	[smem:$0x3FAF] =	sst s7  }
0x10: {  	[smem:$0x3FB0] =	sst s8  }
0x11: {  	[smem:$0x3FB1] =	sst s9;
	s0 =	simm.s32 @!p0 $0x0  }
0x12: {  	s1 =	sld [smem:$0x3F97];
	s0 =	simm.s32 @p0 $0x1  }
0x13: {  	[smem:$0x3FB2] =	sst s0;
	s0 =	simm.s32 @!p1 $0x0  }
0x14: {  	s2 =	sld [smem:$0x3F96];
	s0 =	simm.s32 @p1 $0x1  }
0x15: {  	[smem:$0x3FB3] =	sst s0;
	s0 =	simm.s32 @!p2 $0x0  }
0x16: {  	s3 =	sld [smem:$0x3FDB];
	s0 =	simm.s32 @p2 $0x1  }
0x17: {  	s4 =	simm.s32 $0x1BF5;
	[smem:$0x3FB5] =	sst s0  }
0x18: {  	s0 =	sld [smem:$0x3F98];
	_ =	swait.ge [sflag:s4], $0x0  }
0x19: {  	s7 =	sld [smem:$0x3F99]  }
0x1a: {  	s8 =	sadd.s32 $0xFFFFE003, lr  }
0x1b: {  	s9 =	sadd.s32 $0xFFFFFEF7, lr;
	s5 =	simm.s32 $0xFFFFFFFF;
	p2 =	slt.u32 s8, $0xFFFFF086  }
0x1c: {  	p1 =	slt.u32 s9, $0xF7A;
	s5 =	simm.s32 @!p2 $0x0  }
0x1d: {  	s5 =	simm.s32 @p1 $0x1;
	p0 =	seq.s32 s7, s2  }
0x1e: {  	s7 =	smul.u32 @!p0 $0xF7A, s2;
	p2 =	seq.s32 @!p0 s5, $0x0  }
0x1f: {  	s9 =	smul.u32 $0xF7A, s1;
	s8 =	simm.s32 @!p0 $0x1BF5;
	p2 =	por !p2, p0  }
0x20: {  	[sflag:s8] =	ssyncset.s32 @!p0 $0xFFFFF086;
	s6 =	sadd.s32 @!p0 s3, s7;
	s7 =	simm.s32 @!p0 $0x108  }
0x21: {  	s3 =	sadd.s32 s3, s9;
	s6 =	sadd.s32 @!p0 $0x88, s6;
	s7 =	simm.s32 @p2 $0x1082  }
0x22: {  	[simem:s7], [sflag:s8] =	dma.local @!p0 [hbm:s6], $0xF7A  }
0x23: {  	s9 =	sor.u32 $0xD0000000, s2;
	s6 =	simm.s32 $0x108;
	_ =	swait.ge @!p0 [sflag:s8], $0x0  }
0x24: {  	s3 =	sadd.s32 $0x88, s3;
	s6 =	simm.s32 @!p1 $0x1082;
	[sflag:s4] =	ssyncset.s32 $0xFFFFF086  }
0x25: {  	[simem:s6], [sflag:s4] =	dma.local [hbm:s3], $0xF7A  }
0x26: {  	[smem:$0x3F99] =	sst s1;
	(tag) =	ssettag s2;
	_ =	strace s9  }
0x27: {  	s1 =	sld [smem:$0x3FA9]  }
0x28: {  	s2 =	sld [smem:$0x3FAA]  }
0x29: {  	s4 =	sld [smem:$0x3FAC]  }
0x2a: {  	p0 =	seq.s32 s5, $0x0;
	s5 =	sld [smem:$0x3FAD]  }
0x2b: {  	s6 =	sld [smem:$0x3FAE]  }
0x2c: {  	s7 =	sld [smem:$0x3FAF]  }
0x2d: {  	s3 =	simm.s32 $0x108;
	s8 =	sld [smem:$0x3FB0]  }
0x2e: {  	s3 =	simm.s32 @!p0 $0x1082;
	s9 =	sld [smem:$0x3FB1]  }
0x2f: {  	lr =	sadd.s32 s0, s3;
	s0 =	sld [smem:$0x3FA8]  }
0x30: {  	s3 =	sld [smem:$0x3FAB]  }
0x31: {  	[smem:$0x3FB4] =	sst s10  }
0x32: {  	s10 =	sld [smem:$0x3FB2];
	_ =	sdelay $0x3  }
0x33: {  	p0 =	seq.s32 s10, $0x1;
	s10 =	sld [smem:$0x3FB4];
	_ =	sdelay $0x3  }
0x34: {  	[smem:$0x3FB4] =	sst s10  }
0x35: {  	s10 =	sld [smem:$0x3FB3];
	_ =	sdelay $0x3  }
0x36: {  	p1 =	seq.s32 s10, $0x1;
	s10 =	sld [smem:$0x3FB4];
	_ =	sdelay $0x3  }
0x37: {  	[smem:$0x3FB4] =	sst s10  }
0x38: {  	s10 =	sld [smem:$0x3FB5]  }
0x39: {  	_ = 	snop;
	(pc) =	sbr.ind lr, $3  }
0x3a: {  	_ = 	snop  }
0x3b: {  	_ = 	snop  }
0x3c: {  	p2 =	seq.s32 s10, $0x1;
	s10 =	sld [smem:$0x3FB4]  }
0x3d: {  	_ =	shalt  }
0x3e: {  	_ =	shalt  }
0x3f: {  	_ =	shalt  }
0x40: {  	_ =	shalt  }
0x41: {  	_ =	shalt  }
0x42: {  	_ =	shalt  }
0x43: {  	_ =	shalt  }
0x44: {  	_ =	shalt  }
0x45: {  	_ =	shalt  }
0x46: {  	_ =	shalt  }
0x47: {  	_ =	shalt  }
0x48: {  	_ =	shalt  }
0x49: {  	_ =	shalt  }
0x4a: {  	_ =	shalt  }
0x4b: {  	_ =	shalt  }
0x4c: {  	_ =	shalt  }
0x4d: {  	_ =	shalt  }
0x4e: {  	_ =	shalt  }
0x4f: {  	_ =	shalt  }
0x50: {  	_ =	shalt  }
0x51: {  	_ =	shalt  }
0x52: {  	_ =	shalt  }
0x53: {  	_ =	shalt  }
0x54: {  	_ =	shalt  }
0x55: {  	_ =	shalt  }
0x56: {  	_ =	shalt  }
0x57: {  	_ =	shalt  }
0x58: {  	_ =	shalt  }
0x59: {  	_ =	shalt  }
0x5a: {  	_ =	shalt  }
0x5b: {  	_ =	shalt  }
0x5c: {  	_ =	shalt  }
0x5d: {  	_ =	shalt  }
0x5e: {  	_ =	shalt  }
0x5f: {  	_ =	shalt  }
0x60: {  	_ =	shalt  }
0x61: {  	_ =	shalt  }
0x62: {  	_ =	shalt  }
0x63: {  	_ =	shalt  }
0x64: {  	_ =	shalt  }
0x65: {  	_ =	shalt  }
0x66: {  	_ =	shalt  }
0x67: {  	_ =	shalt  }
0x68: {  	_ =	shalt  }
0x69: {  	_ =	shalt  }
0x6a: {  	_ =	shalt  }
0x6b: {  	_ =	shalt  }
0x6c: {  	_ =	shalt  }
0x6d: {  	_ =	shalt  }
0x6e: {  	_ =	shalt  }
0x6f: {  	_ =	shalt  }
0x70: {  	_ =	shalt  }
0x71: {  	_ =	shalt  }
0x72: {  	_ =	shalt  }
0x73: {  	_ =	shalt  }
0x74: {  	_ =	shalt  }
0x75: {  	_ =	shalt  }
0x76: {  	_ =	shalt  }
0x77: {  	_ =	shalt  }
0x78: {  	_ =	shalt  }
0x79: {  	_ =	shalt  }
0x7a: {  	_ =	shalt  }
0x7b: {  	_ =	shalt  }
0x7c: {  	_ =	shalt  }
0x7d: {  	_ =	shalt  }
0x7e: {  	_ =	shalt  }
0x7f: {  	_ =	shalt  }
0x80: {  	_ =	shalt  }
0x81: {  	_ =	shalt  }
0x82: {  	_ =	shalt  }
0x83: {  	_ =	shalt  }
0x84: {  	_ =	shalt  }
0x85: {  	_ =	shalt  }
0x86: {  	_ =	shalt  }
0x87: {  	_ =	shalt  }
.Lfunc_end0:
.L_simem_size_0:
called_computation_lowered:
.L_overlay_start_0:
0x88: {  	s2 =	sld [smem:$0x3FD9]  }
0x89: {  	s3 =	sld [smem:$0x3FFE];
	_ =	sdelay $0x1  }
0x8a: {  	s1 =	srdreg.scid  }
0x8b: {  	s0 =	sand.u32 $0x1, s1  }
0x8c: {  	s16 =	sshll.u32 s0, $0xA;
	s2 =	sadd.s32 s3, s2  }
0x8d: {  	s2 =	sadd.s32 s2, s16  }
0x8e: {  	[smem:$0x3FC0] =	sst s2  }
0x8f: {  	_ = 	snop  }
0x90: {  	(tm) =	ssettm $0x1  }
0x91: {  	s17 =	sld [smem:$0x3FFB];
	_ =	sdelay $0x3  }
0x92: {  	_ =	strace s17  }
0x93: {  	s2 =	sld [smem:$0x3FFC];
	_ =	sdelay $0x3  }
0x94: {  	_ =	strace s2  }
0x95: {  	s2 =	sld [smem:$0x3FFD];
	_ =	sdelay $0x3  }
0x96: {  	_ =	strace s2  }
0x97: {  	_ =	strace $0x8FFFFFFF  }
0x98: {  	s18 =	sld [smem:$0x3FDB];
	_ =	sdelay $0x1  }
0x99: {  	s19 =	simm.s32 $_scs_section_size  }
0x9a: {  	s4 =	simm.s32 $_size__tile_overlayer_lowered;
	s5 =	simm.s32 $_tile_overlayer_lowered  }
0x9b: {  	s22 =	simm.s32 $0x1BFF;
	s21 =	sshll.u32 s5, $0x1;
	s2 =	sadd.s32 s19, s18  }
0x9c: {  	s6 =	simm.s32 $0x0;
	s20 =	sshll.u32 s4, $0x1;
	s4 =	sadd.s32 s21, s2  }
0x9d: {  	[timem:s6], [sflag:s22] =	dma.local [hbm:s4], s20  }
0x9e: {  	_ =	swait.ge [sflag:s22], s20  }
0x9f: {  	s3 =	ssub.s32 $0x0, s20;
	[sflag:s22] =	ssyncset.done $0x0  }
0xa0: {  	[sflag:s22] =	ssyncadd.s32 s3;
	_ =	sdelay $0x1  }
0xa1: {  	s23 =	simm.s32 $0x1B8B  }
0xa2: {  	_ =	swait.ge [sflag:s23], $0x1  }
0xa3: {  	[sflag:s23] =	ssyncset.done $0x0  }
0xa4: {  	s25 =	simm.s32 $0x1B8E;
	s24 =	sld [smem:$0x3FFE];
	[sflag:s23] =	ssyncadd.s32 $0xFFFFFFFF  }
0xa5: {  	s26 =	simm.s32 $execute0_lowered;
	[smem:$0x3FD2] =	sst s25  }
0xa6: {  	s4 =	sshll.u32 s26, $0x1;
	_ =	strace $0x80000046;
	[dreg:$0x1] =	wrdreg $0xFFFFFFFF  }
0xa7: {  	s28 =	simm.s32 $_size_execute0_lowered;
	s2 =	sadd.s32 s2, s4;
	[dreg:$0x0] =	wrdreg $0x0  }
0xa8: {  	s4 =	sshll.u32 s28, $0x1;
	[dreg:$0x2] =	wrdreg s2  }
0xa9: {  	[dreg:$0x3] =	wrdreg s4  }
0xaa: {  	[dreg:$0x4] =	wrdreg $0xC0  }
0xab: {  	_ =	task [dreg:s6], $0x5FFFF  }
0xac: {  	[dreg:$0x1] =	wrdreg $0xFFFFFFFF  }
0xad: {  	[dreg:$0x0] =	wrdreg $0x60  }
0xae: {  	[dreg:$0x2] =	wrdreg s24  }
0xaf: {  	[dreg:$0x3] =	wrdreg $0x128000  }
0xb0: {  	[dreg:$0x4] =	wrdreg $0x1C8000  }
0xb1: {  	[dreg:$0x5] =	wrdreg $0x9  }
0xb2: {  	_ =	task.clear_ibuf [dreg:s6], $0x6FFFF;
	_ =	strace $0x90000046  }
0xb3: {  	s29 =	simm.s32 $0x9;
	_ =	strace $0x80000048  }
0xb4: {  	_ =	swait.ge [sflag:s29], $0x1  }
0xb5: {  	[sflag:s29] =	ssyncadd.s32 $0xFFFFFFFF  }
0xb6: {  	_ =	strace $0x90000048  }
0xb7: {  	_ =	sfence  }
0xb8: {  	s30 =	sld [smem:$0x0];
	_ =	sdelay $0x2  }
0xb9: {  	s31 =	sshll.u32 s1, $0xD;
	s1 =	sshrl.u32 s1, $0x2  }
0xba: {  	s3 =	sand.u32 $0x4000, s31;
	s1 =	sadd.s32 s1, s30  }
0xbb: {  	s0 =	sor.u32 s3, s0;
	s1 =	sshll.u32 s1, $0x11  }
0xbc: {  	s0 =	sor.u32 s1, s0  }
0xbd: {  	s0 =	sadd.s32 $0x8F2B, s0  }
0xbe: {  	[sflag:s0] =	ssyncadd.remote.s32 $0x1  }
0xbf: {  	_ =	sfence.sel $0xFFFF  }
0xc0: {  	[dreg:$0x0] =	wrdreg $0xFFFFFFFF;
	(pc) =	sbr.abs _section_cstart, $3  }
0xc1: {  	[dreg:$0x1] =	wrdreg $0xFFFFFFFF  }
0xc2: {  	_ =	task.clear_ibuf [dreg:s6], $0x2FFFF;
	_ =	strace $0x9FFFFFFF  }
0xc3: {  	(tm) =	ssettm $0x7FFFFFFF  }
tec
execute0_lowered:
.L_overlay_start_1:
0x0: {  	(tag) =	ssettag $0x1  }
0x1: {  	s0 =	rddreg [dreg:$0x0];
	s1 =	simm.s32 $0x0;
	s18 =	stileid.u32  }
0x2: {  	s2 =	srdreg.scid;
	s30 =	simm.s32 $0xA000;
	s6 =	smul.u32 $0x280, s18  }
0x3: {  	s31 =	simm.s32 $0x9;
	s3 =	sand.u32 $0x1, s2;
	s9 =	smul.u32 $0xA000, s18  }
0x4: {  	s29 =	simm.s32 $0x6;
	[smem:$0x7FF] =	sst s1;
	s4 =	smul.u32 $0x50000, s3  }
0x5: {  	s5 =	sadd.s32 $0x50000, s0;
	s2 =	ssub.s32 $0x2, s3;
	s15 =	smul.u32 $0xA0000, s3  }
0x6: {  	s7 =	sadd.s32 $0x46000, s0;
	s3 =	smul.u32 $0x28000, s3;
	s8 =	sshrl.u32 s2, $0x1  }
0x7: {  	s10 =	sadd.s32 $0x80, s6;
	s19 =	sadd.s32 $0x100, s6;
	s13 =	sadd.s32 $0x180, s6  }
0x8: {  	s6 =	sadd.s32 $0x200, s6;
	s2 =	ssub.s32 s2, s8;
	s8 =	smul.u32 $0x2800, s18  }
0x9: {  	s11 =	sshll.u32 s10, $0x6;
	s12 =	sshll.u32 s10, $0x4;
	s14 =	sshll.u32 s19, $0x6  }
0xa: {  	s16 =	sshll.u32 s19, $0x4;
	s22 =	sshll.u32 s13, $0x6;
	s23 =	sshll.u32 s13, $0x4  }
0xb: {  	s20 =	sadd.s32 s9, s15;
	s24 =	sshll.u32 s6, $0x6;
	s6 =	sshll.u32 s6, $0x4  }
0xc: {  	s10 =	sshrl.u32 s20, $0x3;
	s26 =	sadd.s32 s15, s11;
	s28 =	sadd.s32 s15, s14  }
0xd: {  	s17 =	sadd.s32 s3, s12;
	s20 =	sadd.s32 s3, s16;
	s21 =	sadd.s32 s8, s3  }
0xe: {  	s10 =	sadd.s32 s5, s10;
	s13 =	sshrl.u32 s28, $0x3;
	s19 =	sshrl.u32 s17, $0x3  }
0xf: {  	s28 =	smul.u32 $0x5000, s18;
	[dreg:$0x4] =	wrdreg s10;
	s25 =	sshrl.u32 s21, $0x3  }
0x10: {  	s13 =	sadd.s32 s5, s13;
	s21 =	sadd.s32 s15, s22;
	s15 =	sadd.s32 s15, s24  }
0x11: {  	s10 =	sadd.s32 s7, s25;
	[dreg:$0x7] =	wrdreg s13;
	s13 =	sshrl.u32 s20, $0x3  }
0x12: {  	s17 =	sshrl.u32 s21, $0x3;
	s15 =	sshrl.u32 s15, $0x3;
	s25 =	sadd.s32 s3, s23  }
0x13: {  	s3 =	sadd.s32 s3, s6;
	[dreg:$0x5] =	wrdreg s10;
	s10 =	sshrl.u32 s26, $0x3  }
0x14: {  	s17 =	sadd.s32 s5, s17;
	s26 =	sadd.s32 s7, s13;
	s13 =	rddreg [dreg:$0x2]  }
0x15: {  	s3 =	sshrl.u32 s3, $0x3;
	s10 =	sadd.s32 s5, s10;
	[dreg:$0x8] =	wrdreg s17  }
0x16: {  	s5 =	sadd.s32 s5, s15;
	[dreg:$0xb] =	wrdreg s26;
	s3 =	sadd.s32 s7, s3  }
0x17: {  	s15 =	sadd.s32 $0xE00, s0;
	s17 =	sadd.s32 s12, s13;
	[dreg:$0x6] =	wrdreg s10  }
0x18: {  	s21 =	sadd.s32 s16, s13;
	s23 =	sadd.s32 s23, s13;
	[dreg:$0x9] =	wrdreg s5  }
0x19: {  	s12 =	simm.s32 $0x8;
	s10 =	sadd.s32 s7, s19;
	[dreg:$0xd] =	wrdreg s3  }
0x1a: {  	s5 =	sshrl.u32 s25, $0x3;
	s25 =	sadd.s32 s6, s13;
	[dreg:$0xa] =	wrdreg s10  }
0x1b: {  	s6 =	simm.s32 $0x2;
	s10 =	rddreg [dreg:$0x1];
	s5 =	sadd.s32 s7, s5  }
0x1c: {  	s7 =	sshrl.u32 s28, $0x3;
	[dreg:$0xc] =	wrdreg s5;
	s5 =	sadd.s32 s28, s4  }
0x1d: {  	s4 =	sadd.s32 s7, s0;
	s18 =	sadd.s32 s9, s10;
	s9 =	sadd.s32 s8, s13  }
0x1e: {  	s11 =	sadd.s32 s11, s10;
	s20 =	sadd.s32 s14, s10;
	s22 =	sadd.s32 s22, s10  }
0x1f: {  	s24 =	sadd.s32 s24, s10;
	s28 =	smax.u32 s2, $0x1;
	s2 =	simm.s32 $0x80  }
0x20: {  	s8 =	simm.s32 $0x10000;
	_ =	strace $0x80000047;
	[dreg:$0xe] =	wrdreg s9  }
0x21: {  	s14 =	simm.s32 $0x5;
	s7 =	simm.s32 $0x7;
	[dreg:$0xf] =	wrdreg s11  }
.Ltmp0:
0x22: {  	s3 =	sshrl.u32 s5, $0x3;
	[dreg:$0x10] =	wrdreg s17;
	(pc) =	sbr.rel .LBB2_1-.Ltmp0, $4  }
0x23: {  	s26 =	sadd.s32 $0x3C000, s4;
	[dreg:$0x13] =	wrdreg s28;
	s11 =	simm.s32 $0x12000  }
0x24: {  	s4 =	simm.s32 $0x1;
	s5 =	simm.s32 $0xE000;
	s3 =	sadd.s32 s3, s0  }
0x25: {  	s9 =	simm.s32 $0x3;
	[dreg:$0x12] =	wrdreg s26;
	s19 =	sadd.s32 $0x28000, s3  }
0x26: {  	v0 =	vimm.f32 $0.0e+00;
	v1 =	vimm.f32 $1.000000000e+00;
	s26 =	simm.s32 $0x4;
	s3 =	simm.s32 $0xC000;
	[dreg:$0x11] =	wrdreg s19  }
.LBB2_8:
0x27: {  	_ =	swait.ge [sflag:s7], $0x2000  }
0x28: {  	[sflag:s7] =	ssyncset.done $0x0  }
0x29: {  	[sflag:s7] =	ssyncadd.s32 $0xFFFFE000  }
0x2a: {  	_ =	swait.ge [sflag:s7], $0x800  }
0x2b: {  	[sflag:s7] =	ssyncset.done $0x0  }
0x2c: {  	[sflag:s7] =	ssyncadd.s32 $0xFFFFF800  }
0x2d: {  	_ =	swait.ge [sflag:s12], $0x2000  }
0x2e: {  	[sflag:s12] =	ssyncset.done $0x0  }
0x2f: {  	[sflag:s12] =	ssyncadd.s32 $0xFFFFE000  }
0x30: {  	_ =	swait.ge [sflag:s12], $0x800  }
0x31: {  	[sflag:s12] =	ssyncset.done $0x0  }
0x32: {  	s0 =	stileid.u32;
	[sflag:s12] =	ssyncadd.s32 $0xFFFFF800  }
0x33: {  	s0 =	sshll.u32 s0, $0x6;
	[bflag:$0x0] =	sbarrier.arrive $0xFFFF  }
0x34: {  	s16 =	sshrl.u32 s19, $0x3;
	s0 =	sor.u32 $0x1C09, s0;
	s17 =	rddreg [dreg:$0x4]  }
0x35: {  	[hbm:s17], [sflag:s0] =	dma.local [spmem:s16], $0x400  }
0x36: {  	_ =	swait.ge [sflag:s31], $0x400  }
0x37: {  	s18 =	smov.u32 s19;
	[sflag:s31] =	ssyncset.done $0x0;
	s19 =	rddreg [dreg:$0xe]  }
0x38: {  	s28 =	rddreg [dreg:$0x5];
	[sflag:s31] =	ssyncadd.s32 $0xFFFFFC00;
	s16 =	sshrl.u32 s19, $0x3  }
0x39: {  	[hbm:s28], [sflag:s0] =	dma.local [spmem:s16], $0x100  }
0x3a: {  	_ =	swait.ge [sflag:s31], $0x100  }
0x3b: {  	[sflag:s31] =	ssyncset.done $0x0;
	s19 =	rddreg [dreg:$0xf]  }
0x3c: {  	s28 =	rddreg [dreg:$0x6];
	[sflag:s31] =	ssyncadd.s32 $0xFFFFFF00;
	s16 =	sshrl.u32 s19, $0x3  }
0x3d: {  	[hbm:s28], [sflag:s0] =	dma.local [spmem:s16], $0x400  }
0x3e: {  	_ =	swait.ge [sflag:s31], $0x400  }
0x3f: {  	[sflag:s31] =	ssyncset.done $0x0;
	s19 =	rddreg [dreg:$0x10]  }
0x40: {  	s28 =	rddreg [dreg:$0xa];
	[sflag:s31] =	ssyncadd.s32 $0xFFFFFC00;
	s16 =	sshrl.u32 s19, $0x3  }
0x41: {  	[hbm:s28], [sflag:s0] =	dma.local [spmem:s16], $0x100  }
0x42: {  	_ =	swait.ge [sflag:s31], $0x100  }
0x43: {  	[sflag:s31] =	ssyncset.done $0x0  }
0x44: {  	s19 =	sshrl.u32 s20, $0x3;
	s28 =	rddreg [dreg:$0x7];
	[sflag:s31] =	ssyncadd.s32 $0xFFFFFF00  }
0x45: {  	[hbm:s28], [sflag:s0] =	dma.local [spmem:s19], $0x400  }
0x46: {  	_ =	swait.ge [sflag:s31], $0x400  }
0x47: {  	[sflag:s31] =	ssyncset.done $0x0  }
0x48: {  	s19 =	sshrl.u32 s21, $0x3;
	s28 =	rddreg [dreg:$0xb];
	[sflag:s31] =	ssyncadd.s32 $0xFFFFFC00  }
0x49: {  	[hbm:s28], [sflag:s0] =	dma.local [spmem:s19], $0x100  }
0x4a: {  	_ =	swait.ge [sflag:s31], $0x100  }
0x4b: {  	[sflag:s31] =	ssyncset.done $0x0  }
0x4c: {  	s19 =	sshrl.u32 s22, $0x3;
	s28 =	rddreg [dreg:$0x8];
	[sflag:s31] =	ssyncadd.s32 $0xFFFFFF00  }
0x4d: {  	[hbm:s28], [sflag:s0] =	dma.local [spmem:s19], $0x400  }
0x4e: {  	_ =	swait.ge [sflag:s31], $0x400  }
0x4f: {  	[sflag:s31] =	ssyncset.done $0x0  }
0x50: {  	s19 =	sshrl.u32 s23, $0x3;
	s28 =	rddreg [dreg:$0xc];
	[sflag:s31] =	ssyncadd.s32 $0xFFFFFC00  }
0x51: {  	[hbm:s28], [sflag:s0] =	dma.local [spmem:s19], $0x100  }
0x52: {  	_ =	swait.ge [sflag:s31], $0x100  }
0x53: {  	[sflag:s31] =	ssyncset.done $0x0  }
0x54: {  	s19 =	sshrl.u32 s24, $0x3;
	s28 =	rddreg [dreg:$0x9];
	[sflag:s31] =	ssyncadd.s32 $0xFFFFFF00  }
0x55: {  	[hbm:s28], [sflag:s0] =	dma.local [spmem:s19], $0x400  }
0x56: {  	_ =	swait.ge [sflag:s31], $0x400  }
0x57: {  	[sflag:s31] =	ssyncset.done $0x0  }
0x58: {  	s17 =	sshrl.u32 s25, $0x3;
	s19 =	rddreg [dreg:$0xd];
	[sflag:s31] =	ssyncadd.s32 $0xFFFFFC00  }
0x59: {  	[hbm:s19], [sflag:s0] =	dma.local [spmem:s17], $0x100  }
0x5a: {  	_ =	swait.ge [sflag:s31], $0x100  }
0x5b: {  	s1 =	sadd.s32 $0x1, s1;
	s28 =	rddreg [dreg:$0x13]  }
0x5c: {  	p0 =	sne.s32 s1, s28  }
.Ltmp1:
0x5d: {  	_ = 	snop;
	(pc) =	sbr.rel @!p0 .LBB2_9-.Ltmp1, $3  }
0x5e: {  	_ =	sdelay $0x1  }
0x5f: {  	[sflag:s31] =	ssyncset.done $0x0  }
0x60: {  	[sflag:s31] =	ssyncadd.s32 $0xFFFFFF00  }
.LBB2_1:
0x61: {  	s0 =	simm.s32 $0xA020  }
0x62: {  	[tilespmem:s0+$0x0] =	vst v0  }
0x63: {  	[tilespmem:s0+$0xFFFFFFE0] =	vst v0  }
0x64: {  	[tilespmem:s0+$0x10] =	vst v0  }
0x65: {  	s28 =	simm.s32 $0x40;
	s16 =	simm.s32 $0x0;
	[tilespmem:s0+$0xFFFFFFF0] =	vst v0  }
.LBB2_2:
0x66: {  	p0 =	sne.s32 s28, $0x1FC0  }
0x67: {  	[tilespmem:s16+$0x12000] =	vst v0;
	s0 =	sadd.s32 $0x40, s0;
	s16 =	smov.u32 s28;
	s28 =	sadd.s32 $0x40, s28  }
.Ltmp2:
0x68: {  	[tilespmem:s0+$0x0] =	vst v0;
	(pc) =	sbr.rel @p0 .LBB2_2-.Ltmp2, $4  }
0x69: {  	_ = 	snop  }
0x6a: {  	[tilespmem:s0+$0xFFFFFFE0] =	vst v0  }
0x6b: {  	[tilespmem:s0+$0x10] =	vst v0  }
0x6c: {  	s16 =	sshra.s32 s16, $0x2;
	[tilespmem:s0+$0xFFFFFFF0] =	vst v0  }
0x6d: {  	[tilespmem:s16+$0x12000] =	vst v0  }
0x6e: {  	[spmem:s18] =	stream.linear.scatter [tilespmem:s30], [sflag:$0x9], $0x2000, $0x38;
	[tilespmem:$0x1F000] =	vst v63  }
0x6f: {  	_ =	swait.ge [sflag:s31], $0x2000  }
0x70: {  	[sflag:s31] =	ssyncset.done $0x0  }
0x71: {  	s0 =	rddreg [dreg:$0xe];
	[sflag:s31] =	ssyncadd.s32 $0xFFFFE000  }
0x72: {  	[spmem:s0] =	stream.linear.scatter [tilespmem:s11], [sflag:$0x9], $0x800, $0x38;
	[tilespmem:$0x1F000] =	vst v63  }
0x73: {  	_ =	swait.ge [sflag:s31], $0x800  }
0x74: {  	[sflag:s31] =	ssyncset.done $0x0  }
0x75: {  	s19 =	smov.u32 s18;
	s18 =	rddreg [dreg:$0xf];
	[sflag:s31] =	ssyncadd.s32 $0xFFFFF800  }
0x76: {  	[spmem:s18] =	stream.linear.scatter [tilespmem:s30], [sflag:$0x9], $0x2000, $0x38;
	[tilespmem:$0x1F000] =	vst v63  }
0x77: {  	_ =	swait.ge [sflag:s31], $0x2000  }
0x78: {  	[sflag:s31] =	ssyncset.done $0x0  }
0x79: {  	s28 =	rddreg [dreg:$0x10];
	[sflag:s31] =	ssyncadd.s32 $0xFFFFE000  }
0x7a: {  	[spmem:s28] =	stream.linear.scatter [tilespmem:s11], [sflag:$0x9], $0x800, $0x38;
	[tilespmem:$0x1F000] =	vst v63  }
0x7b: {  	_ =	swait.ge [sflag:s31], $0x800  }
0x7c: {  	[sflag:s31] =	ssyncset.done $0x0  }
0x7d: {  	[sflag:s31] =	ssyncadd.s32 $0xFFFFF800  }
0x7e: {  	[spmem:s20] =	stream.linear.scatter [tilespmem:s30], [sflag:$0x9], $0x2000, $0x38;
	[tilespmem:$0x1F000] =	vst v63  }
0x7f: {  	_ =	swait.ge [sflag:s31], $0x2000  }
0x80: {  	[sflag:s31] =	ssyncset.done $0x0  }
0x81: {  	[sflag:s31] =	ssyncadd.s32 $0xFFFFE000  }
0x82: {  	[spmem:s21] =	stream.linear.scatter [tilespmem:s11], [sflag:$0x9], $0x800, $0x38;
	[tilespmem:$0x1F000] =	vst v63  }
0x83: {  	_ =	swait.ge [sflag:s31], $0x800  }
0x84: {  	[sflag:s31] =	ssyncset.done $0x0  }
0x85: {  	[sflag:s31] =	ssyncadd.s32 $0xFFFFF800  }
0x86: {  	[spmem:s22] =	stream.linear.scatter [tilespmem:s30], [sflag:$0x9], $0x2000, $0x38;
	[tilespmem:$0x1F000] =	vst v63  }
0x87: {  	_ =	swait.ge [sflag:s31], $0x2000  }
0x88: {  	[sflag:s31] =	ssyncset.done $0x0  }
0x89: {  	[sflag:s31] =	ssyncadd.s32 $0xFFFFE000  }
0x8a: {  	[spmem:s23] =	stream.linear.scatter [tilespmem:s11], [sflag:$0x9], $0x800, $0x38;
	[tilespmem:$0x1F000] =	vst v63  }
0x8b: {  	_ =	swait.ge [sflag:s31], $0x800  }
0x8c: {  	[sflag:s31] =	ssyncset.done $0x0  }
0x8d: {  	[sflag:s31] =	ssyncadd.s32 $0xFFFFF800  }
0x8e: {  	[spmem:s24] =	stream.linear.scatter [tilespmem:s30], [sflag:$0x9], $0x2000, $0x38;
	[tilespmem:$0x1F000] =	vst v63  }
0x8f: {  	_ =	swait.ge [sflag:s31], $0x2000  }
0x90: {  	[sflag:s31] =	ssyncset.done $0x0  }
0x91: {  	[sflag:s31] =	ssyncadd.s32 $0xFFFFE000  }
0x92: {  	[spmem:s25] =	stream.linear.scatter [tilespmem:s11], [sflag:$0x9], $0x800, $0x38;
	[tilespmem:$0x1F000] =	vst v63  }
0x93: {  	_ =	swait.ge [sflag:s31], $0x800  }
0x94: {  	[sflag:s31] =	ssyncset.done $0x0  }
0x95: {  	s16 =	simm.s32 $0x0;
	s0 =	simm.s32 $0x40;
	[sflag:s31] =	ssyncadd.s32 $0xFFFFF800  }
.LBB2_4:
0x96: {  	p0 =	sne.s32 s0, $0x1FC0;
	[tilespmem:s16+$0x12000] =	vst v1;
	s16 =	smov.u32 s0;
	s0 =	sadd.s32 $0x40, s0  }
.Ltmp3:
0x97: {  	(pc) =	sbr.rel @p0 .LBB2_4-.Ltmp3, $2  }
0x98: {  	_ =	sdelay $0x2  }
0x99: {  	s16 =	sshra.s32 s16, $0x2  }
0x9a: {  	[tilespmem:s16+$0x12000] =	vst v1;
	s28 =	simm.s32 $0x0;
	s0 =	rddreg [dreg:$0x11]  }
0x9b: {  	[tilespmem:s28], [sflag:$0x9] =	stream.linear.gather [hbm4b:s0+s28], $0x5000, $0x38;
	[tilespmem:$0x1F000] =	vst v63  }
0x9c: {  	_ =	swait.ge [sflag:s31], $0x5000  }
0x9d: {  	[sflag:s31] =	ssyncset.done $0x0  }
0x9e: {  	s17 =	simm.s32 $0x5000;
	s16 =	rddreg [dreg:$0x12];
	[sflag:s31] =	ssyncadd.s32 $0xFFFFB000  }
0x9f: {  	[tilespmem:s17], [sflag:$0x9] =	stream.linear.gather [hbm4b:s16+s28], $0x5000, $0x38;
	[tilespmem:$0x1F000] =	vst v63  }
0xa0: {  	_ =	swait.ge [sflag:s31], $0x5000  }
0xa1: {  	[sflag:s31] =	ssyncset.done $0x0  }
0xa2: {  	[sflag:s31] =	ssyncadd.s32 $0xFFFFB000  }
0xa3: {  	[bflag:$0x0] =	sbarrier.arrive $0xFFFF  }
0xa4: {  	[tilespmem:s30], [sflag:$0x1] =	stream.indirect.gather [hbm4b:s15+s2], $0x40, s28, s2, $0xb8;
	[tilespmem:$0x1F000] =	vst v63  }
0xa5: {  	_ = 	snop  }
0xa6: {  	[tilespmem:s3], [sflag:$0x2] =	stream.indirect.gather [hbm4b:s15+s2], $0x40, s2, s2, $0xb8;
	[tilespmem:$0x1F000] =	vst v63  }
0xa7: {  	_ =	swait.ge [sflag:s4], $0x2000  }
0xa8: {  	[sflag:s4] =	ssyncset.done $0x0  }
0xa9: {  	[sflag:s4] =	ssyncadd.s32 $0xFFFFE000  }
0xaa: {  	[spmem:s10] =	stream.indirect.scatter.add.f32 [tilespmem:s30], [sflag:$0x5], $0x40, s17, s2, $0xb8;
	[tilespmem:$0x1F000] =	vst v63  }
0xab: {  	_ = 	snop  }
0xac: {  	[spmem:s13] =	stream.indirect.scatter.add.f32 [tilespmem:s11], [sflag:$0x5], $0x10, s17, s2, $0xb8;
	[tilespmem:$0x1F000] =	vst v63  }
0xad: {  	s18 =	simm.s32 $0x100  }
0xae: {  	[tilespmem:s5], [sflag:$0x3] =	stream.indirect.gather [hbm4b:s15+s2], $0x40, s18, s2, $0xb8;
	[tilespmem:$0x1F000] =	vst v63  }
0xaf: {  	_ =	swait.ge [sflag:s6], $0x2000  }
0xb0: {  	[sflag:s6] =	ssyncset.done $0x0  }
0xb1: {  	s16 =	simm.s32 $0x5080;
	[sflag:s6] =	ssyncadd.s32 $0xFFFFE000  }
0xb2: {  	[spmem:s10] =	stream.indirect.scatter.add.f32 [tilespmem:s3], [sflag:$0x6], $0x40, s16, s2, $0xb8;
	[tilespmem:$0x1F000] =	vst v63  }
0xb3: {  	_ = 	snop  }
0xb4: {  	[spmem:s13] =	stream.indirect.scatter.add.f32 [tilespmem:s11], [sflag:$0x6], $0x10, s16, s2, $0xb8;
	[tilespmem:$0x1F000] =	vst v63  }
0xb5: {  	s17 =	simm.s32 $0x180  }
0xb6: {  	[tilespmem:s8], [sflag:$0x4] =	stream.indirect.gather [hbm4b:s15+s2], $0x40, s17, s2, $0xb8;
	[tilespmem:$0x1F000] =	vst v63  }
0xb7: {  	_ =	swait.ge [sflag:s9], $0x2000  }
0xb8: {  	[sflag:s9] =	ssyncset.done $0x0  }
0xb9: {  	s18 =	simm.s32 $0x5100;
	[sflag:s9] =	ssyncadd.s32 $0xFFFFE000  }
0xba: {  	[spmem:s10] =	stream.indirect.scatter.add.f32 [tilespmem:s5], [sflag:$0x7], $0x40, s18, s2, $0xb8;
	[tilespmem:$0x1F000] =	vst v63  }
0xbb: {  	_ = 	snop  }
0xbc: {  	[spmem:s13] =	stream.indirect.scatter.add.f32 [tilespmem:s11], [sflag:$0x7], $0x10, s18, s2, $0xb8;
	[tilespmem:$0x1F000] =	vst v63  }
0xbd: {  	_ =	swait.ge [sflag:s14], $0x2000  }
0xbe: {  	[sflag:s14] =	ssyncset.done $0x0  }
0xbf: {  	[sflag:s14] =	ssyncadd.s32 $0xFFFFE000  }
0xc0: {  	_ =	swait.ge [sflag:s14], $0x800  }
0xc1: {  	[sflag:s14] =	ssyncset.done $0x0  }
0xc2: {  	s16 =	simm.s32 $0x200;
	[sflag:s14] =	ssyncadd.s32 $0xFFFFF800  }
0xc3: {  	[tilespmem:s30], [sflag:$0x1] =	stream.indirect.gather [hbm4b:s15+s2], $0x40, s16, s2, $0xb8;
	[tilespmem:$0x1F000] =	vst v63  }
0xc4: {  	_ =	swait.ge [sflag:s26], $0x2000  }
0xc5: {  	[sflag:s26] =	ssyncset.done $0x0  }
0xc6: {  	s17 =	simm.s32 $0x5180;
	[sflag:s26] =	ssyncadd.s32 $0xFFFFE000  }
0xc7: {  	[spmem:s10] =	stream.indirect.scatter.add.f32 [tilespmem:s8], [sflag:$0x8], $0x40, s17, s2, $0xb8;
	[tilespmem:$0x1F000] =	vst v63  }
0xc8: {  	_ = 	snop  }
0xc9: {  	[spmem:s13] =	stream.indirect.scatter.add.f32 [tilespmem:s11], [sflag:$0x8], $0x10, s17, s2, $0xb8;
	[tilespmem:$0x1F000] =	vst v63  }
0xca: {  	_ =	swait.ge [sflag:s29], $0x2000  }
0xcb: {  	[sflag:s29] =	ssyncset.done $0x0  }
0xcc: {  	[sflag:s29] =	ssyncadd.s32 $0xFFFFE000  }
0xcd: {  	_ =	swait.ge [sflag:s29], $0x800  }
0xce: {  	[sflag:s29] =	ssyncset.done $0x0  }
0xcf: {  	s18 =	simm.s32 $0x280;
	[sflag:s29] =	ssyncadd.s32 $0xFFFFF800  }
0xd0: {  	[tilespmem:s3], [sflag:$0x2] =	stream.indirect.gather [hbm4b:s15+s2], $0x40, s18, s2, $0xb8;
	[tilespmem:$0x1F000] =	vst v63  }
.LBB2_6:
0xd1: {  	_ =	swait.ge [sflag:s4], $0x2000  }
0xd2: {  	s0 =	sshra.s32 s28, $0x2;
	[sflag:s4] =	ssyncset.done $0x0  }
0xd3: {  	s16 =	sadd.s32 $0x5200, s0;
	[sflag:s4] =	ssyncadd.s32 $0xFFFFE000  }
0xd4: {  	[spmem:s10] =	stream.indirect.scatter.add.f32 [tilespmem:s30], [sflag:$0x5], $0x40, s16, s2, $0xb8;
	[tilespmem:$0x1F000] =	vst v63  }
0xd5: {  	_ = 	snop  }
0xd6: {  	[spmem:s13] =	stream.indirect.scatter.add.f32 [tilespmem:s11], [sflag:$0x5], $0x10, s16, s2, $0xb8;
	[tilespmem:$0x1F000] =	vst v63  }
0xd7: {  	_ =	swait.ge [sflag:s7], $0x2000  }
0xd8: {  	[sflag:s7] =	ssyncset.done $0x0  }
0xd9: {  	[sflag:s7] =	ssyncadd.s32 $0xFFFFE000  }
0xda: {  	_ =	swait.ge [sflag:s7], $0x800  }
0xdb: {  	[sflag:s7] =	ssyncset.done $0x0  }
0xdc: {  	s18 =	sadd.s32 $0x300, s0;
	[sflag:s7] =	ssyncadd.s32 $0xFFFFF800  }
0xdd: {  	[tilespmem:s5], [sflag:$0x3] =	stream.indirect.gather [hbm4b:s15+s2], $0x40, s18, s2, $0xb8;
	[tilespmem:$0x1F000] =	vst v63  }
0xde: {  	_ =	swait.ge [sflag:s6], $0x2000  }
0xdf: {  	[sflag:s6] =	ssyncset.done $0x0  }
0xe0: {  	s17 =	sadd.s32 $0x5280, s0;
	[sflag:s6] =	ssyncadd.s32 $0xFFFFE000  }
0xe1: {  	[spmem:s10] =	stream.indirect.scatter.add.f32 [tilespmem:s3], [sflag:$0x6], $0x40, s17, s2, $0xb8;
	[tilespmem:$0x1F000] =	vst v63  }
0xe2: {  	_ = 	snop  }
0xe3: {  	[spmem:s13] =	stream.indirect.scatter.add.f32 [tilespmem:s11], [sflag:$0x6], $0x10, s17, s2, $0xb8;
	[tilespmem:$0x1F000] =	vst v63  }
0xe4: {  	_ =	swait.ge [sflag:s12], $0x2000  }
0xe5: {  	[sflag:s12] =	ssyncset.done $0x0  }
0xe6: {  	[sflag:s12] =	ssyncadd.s32 $0xFFFFE000  }
0xe7: {  	_ =	swait.ge [sflag:s12], $0x800  }
0xe8: {  	[sflag:s12] =	ssyncset.done $0x0  }
0xe9: {  	s18 =	sadd.s32 $0x380, s0;
	[sflag:s12] =	ssyncadd.s32 $0xFFFFF800  }
0xea: {  	[tilespmem:s8], [sflag:$0x4] =	stream.indirect.gather [hbm4b:s15+s2], $0x40, s18, s2, $0xb8;
	[tilespmem:$0x1F000] =	vst v63  }
0xeb: {  	_ =	swait.ge [sflag:s9], $0x2000  }
0xec: {  	[sflag:s9] =	ssyncset.done $0x0  }
0xed: {  	s17 =	sadd.s32 $0x5300, s0;
	[sflag:s9] =	ssyncadd.s32 $0xFFFFE000  }
0xee: {  	[spmem:s10] =	stream.indirect.scatter.add.f32 [tilespmem:s5], [sflag:$0x7], $0x40, s17, s2, $0xb8;
	[tilespmem:$0x1F000] =	vst v63  }
0xef: {  	_ = 	snop  }
0xf0: {  	[spmem:s13] =	stream.indirect.scatter.add.f32 [tilespmem:s11], [sflag:$0x7], $0x10, s17, s2, $0xb8;
	[tilespmem:$0x1F000] =	vst v63  }
0xf1: {  	_ =	swait.ge [sflag:s14], $0x2000  }
0xf2: {  	[sflag:s14] =	ssyncset.done $0x0  }
0xf3: {  	p0 =	seq.s32 s28, $0x13000;
	[sflag:s14] =	ssyncadd.s32 $0xFFFFE000  }
0xf4: {  	s16 =	sshra.s32 @!p0 s28, $0x2;
	_ =	swait.ge [sflag:s14], $0x800  }
0xf5: {  	s16 =	sadd.s32 @!p0 $0x400, s16;
	[sflag:s14] =	ssyncset.done $0x0  }
0xf6: {  	s18 =	simm.s32 @!p0 $0xA000;
	s17 =	simm.s32 @!p0 $0x80;
	[sflag:s14] =	ssyncadd.s32 $0xFFFFF800  }
0xf7: {  	[tilespmem:s18], [sflag:$0x1] =	stream.indirect.gather @!p0 [hbm4b:s15+s17], $0x40, s16, s17, $0xb8;
	[tilespmem:$0x1F000] =	vst v63  }
0xf8: {  	_ =	swait.ge [sflag:s26], $0x2000  }
0xf9: {  	[sflag:s26] =	ssyncset.done $0x0  }
0xfa: {  	s18 =	sadd.s32 $0x5380, s0;
	[sflag:s26] =	ssyncadd.s32 $0xFFFFE000  }
0xfb: {  	[spmem:s10] =	stream.indirect.scatter.add.f32 [tilespmem:s8], [sflag:$0x8], $0x40, s18, s2, $0xb8;
	[tilespmem:$0x1F000] =	vst v63  }
0xfc: {  	_ = 	snop  }
0xfd: {  	[spmem:s13] =	stream.indirect.scatter.add.f32 [tilespmem:s11], [sflag:$0x8], $0x10, s18, s2, $0xb8;
	[tilespmem:$0x1F000] =	vst v63  }
0xfe: {  	_ =	swait.ge [sflag:s29], $0x2000  }
.Ltmp4:
0xff: {  	[sflag:s29] =	ssyncset.done $0x0;
	(pc) =	sbr.rel @p0 .LBB2_8-.Ltmp4, $4  }
0x100: {  	[sflag:s29] =	ssyncadd.s32 $0xFFFFE000  }
0x101: {  	_ =	swait.ge [sflag:s29], $0x800  }
0x102: {  	[sflag:s29] =	ssyncset.done $0x0  }
0x103: {  	[sflag:s29] =	ssyncadd.s32 $0xFFFFF800  }
.Ltmp5:
0x104: {  	(pc) =	sbr.rel .LBB2_6-.Ltmp5, $3  }
0x105: {  	_ =	sdelay $0x1  }
0x106: {  	s0 =	sadd.s32 $0x480, s0;
	s28 =	sadd.s32 $0x800, s28  }
0x107: {  	[tilespmem:s3], [sflag:$0x2] =	stream.indirect.gather [hbm4b:s15+s2], $0x40, s0, s2, $0xb8;
	[tilespmem:$0x1F000] =	vst v63  }
.LBB2_9:
0x108: {  	_ =	sfence.sel $0x180000  }
0x109: {  	[bflag:$0x0] =	sbarrier.arrive $0xFFFF  }
0x10a: {  	_ =	strace $0x90000047  }
0x10b: {  	s0 =	stileid.u32;
	[bflag:$0x2] =	sbarrier.arrive $0xFFFF  }
0x10c: {  	p0 =	sne.s32 s0, $0x0;
	s0 =	rddreg [dreg:$0x3]  }
0x10d: {  	s0 =	sadd.s32 @!p0 $0x100000, s0  }
0x10e: {  	[sflag:s0] =	ssyncadd.tile.s32 @!p0 $0x1;
	_ =	shalt  }
.Lfunc_end2:
_tile_overlayer_lowered:
.L_overlay_start_2:
0x10f: {  	(tag) =	ssettag $0x2  }
0x110: {  	s0 =	rddreg [dreg:$0x0];
	s2 =	stileid.u32  }
0x111: {  	s1 =	rddreg [dreg:$0x1];
	p0 =	sne.s32 s2, $0x0  }
0x112: {  	s3 =	rddreg [dreg:$0x2];
	[bflag:$0x3] =	sbarrier.arrive $0xFFFF;
	s2 =	simm.s32 @!p0 $0x1C09  }
0x113: {  	[timem:s3], [sflag:s2] =	dma.local @!p0 [hbm:s0], s1  }
0x114: {  	s0 =	simm.s32 @!p0 $0x9  }
0x115: {  	_ =	swait.ge @!p0 [sflag:s0], s1  }
0x116: {  	s1 =	ssub.s32 @!p0 $0x0, s1;
	[sflag:s0] =	ssyncset.done @!p0 $0x0  }
0x117: {  	[sflag:s0] =	ssyncadd.s32 @!p0 s1  }
0x118: {  	[bflag:$0x3] =	sbarrier.arrive $0xFFFF  }
0x119: {  	_ =	shalt  }

</sc_bundles>
